<compile_context>
chip_gen: v7x
topology: tpu7x:2x2x1
jax: 0.10.2.dev20260603
libtpu: 0.0.44.dev20260713+nightly
codegen_flags: <defaults>
</compile_context>

<pallas_src>
import functools

import jax
import jax.numpy as jnp
from jax import lax
from jax.experimental import pallas as pl
from jax.experimental.pallas import tpu as pltpu
from jax.experimental.pallas import tpu_sc as plsc

B, W, N = 32, 128, 4096
ALPHA, BETA = 1.0, 0.5
_LANES = 16


def _inv_rows03(p):
    m = [[p[:, r, c] for c in range(4)] for r in range(4)]
    s0 = m[0][0] * m[1][1] - m[1][0] * m[0][1]
    s1 = m[0][0] * m[1][2] - m[1][0] * m[0][2]
    s2 = m[0][0] * m[1][3] - m[1][0] * m[0][3]
    s3 = m[0][1] * m[1][2] - m[1][1] * m[0][2]
    s4 = m[0][1] * m[1][3] - m[1][1] * m[0][3]
    s5 = m[0][2] * m[1][3] - m[1][2] * m[0][3]
    c5 = m[2][2] * m[3][3] - m[3][2] * m[2][3]
    c4 = m[2][1] * m[3][3] - m[3][1] * m[2][3]
    c3 = m[2][1] * m[3][2] - m[3][1] * m[2][2]
    c2 = m[2][0] * m[3][3] - m[3][0] * m[2][3]
    c1 = m[2][0] * m[3][2] - m[3][0] * m[2][2]
    c0 = m[2][0] * m[3][1] - m[3][0] * m[2][1]
    det = s0 * c5 - s1 * c4 + s2 * c3 + s3 * c2 - s4 * c1 + s5 * c0
    r = 1.0 / det
    rows = [
        [(m[1][1] * c5 - m[1][2] * c4 + m[1][3] * c3) * r,
         (-m[0][1] * c5 + m[0][2] * c4 - m[0][3] * c3) * r,
         (m[3][1] * s5 - m[3][2] * s4 + m[3][3] * s3) * r,
         (-m[2][1] * s5 + m[2][2] * s4 - m[2][3] * s3) * r],
        [(-m[1][0] * c5 + m[1][2] * c2 - m[1][3] * c1) * r,
         (m[0][0] * c5 - m[0][2] * c2 + m[0][3] * c1) * r,
         (-m[3][0] * s5 + m[3][2] * s2 - m[3][3] * s1) * r,
         (m[2][0] * s5 - m[2][2] * s2 + m[2][3] * s1) * r],
        [(m[1][0] * c4 - m[1][1] * c2 + m[1][3] * c0) * r,
         (-m[0][0] * c4 + m[0][1] * c2 - m[0][3] * c0) * r,
         (m[3][0] * s4 - m[3][1] * s2 + m[3][3] * s0) * r,
         (-m[2][0] * s4 + m[2][1] * s2 - m[2][3] * s0) * r],
    ]
    return jnp.stack([jnp.stack(row, axis=-1) for row in rows], axis=1)


def _tc_stage(inv_ref, w_ref, b_ref, n_ref, idx_ref, tbl_ref):
    i16 = inv_ref[0].astype(jnp.bfloat16)
    b16 = b_ref[...].astype(jnp.bfloat16)
    u16 = n_ref[...].astype(jnp.bfloat16)

    p = jax.lax.dot_general(
        i16, b16, (((1,), (0,)), ((), ())),
        preferred_element_type=jnp.float32)
    nrm = jax.lax.dot_general(
        i16[:, 0:3], u16, (((1,), (0,)), ((), ())),
        preferred_element_type=jnp.float32)

    px, py, pz = p[0:1, :], p[1:2, :], p[2:3, :]
    b2 = px * px + py * py + pz * pz
    q = px * nrm[0:1, :] + py * nrm[1:2, :] + pz * nrm[2:3, :]

    wp = w_ref[0]
    wx = wp[:, 0:1]
    wy = wp[:, 1:2]
    wz = wp[:, 2:3]
    a2 = wx * wx + wy * wy + wz * wz

    wm2 = (wp * -2.0).astype(jnp.bfloat16)
    s = jax.lax.dot_general(
        wm2, p.astype(jnp.bfloat16), (((1,), (0,)), ((), ())),
        preferred_element_type=jnp.float32) + b2
    min_s = jnp.min(s, axis=1, keepdims=True)
    mn = jnp.maximum(min_s, -a2)
    lane = jax.lax.broadcasted_iota(jnp.int32, (W, N), 1)
    idx_ref[0, 0, :] = jnp.min(jnp.where(s <= mn, lane, N), axis=1)
    tbl_ref[0, 0:3, :] = nrm
    tbl_ref[0, 3:4, :] = q


def _sc_stage(idx_hbm, tbl_hbm, wfl_hbm, out_hbm,
              idx_v, nx_v, ny_v, nz_v, q_v, w_v, out_v):
    b = lax.axis_index("s") * 2 + lax.axis_index("c")

    pltpu.sync_copy(idx_hbm.at[pl.ds(b * W, W)], idx_v)
    pltpu.sync_copy(tbl_hbm.at[pl.ds((b * 4 + 0) * N, N)], nx_v)
    pltpu.sync_copy(tbl_hbm.at[pl.ds((b * 4 + 1) * N, N)], ny_v)
    pltpu.sync_copy(tbl_hbm.at[pl.ds((b * 4 + 2) * N, N)], nz_v)
    pltpu.sync_copy(tbl_hbm.at[pl.ds((b * 4 + 3) * N, N)], q_v)
    pltpu.sync_copy(wfl_hbm.at[pl.ds(b * (W * 3), W * 3)], w_v)

    lanes = jax.lax.broadcasted_iota(jnp.int32, (_LANES,), 0)
    acc = jnp.zeros((_LANES,), jnp.float32)
    for j in range(W // _LANES):
        iv = idx_v[pl.ds(j * _LANES, _LANES)]
        nxs = plsc.load_gather(nx_v, [iv])
        nys = plsc.load_gather(ny_v, [iv])
        nzs = plsc.load_gather(nz_v, [iv])
        qs = plsc.load_gather(q_v, [iv])
        ivw = lanes * 3 + (j * _LANES * 3)
        wxv = plsc.load_gather(w_v, [ivw])
        wyv = plsc.load_gather(w_v, [ivw + 1])
        wzv = plsc.load_gather(w_v, [ivw + 2])
        s = wxv * nxs + wyv * nys + wzv * nzs - qs
        acc = acc + jnp.where(s > 0.0, ALPHA * s + 1.0, jnp.exp(BETA * s))

    total = jnp.sum(acc) * (1.0 / W)
    out_v[...] = jnp.full((_LANES,), total, jnp.float32)
    pltpu.sync_copy(out_v, out_hbm.at[pl.ds(b * _LANES, _LANES)])


def kernel(posesglobal, waypointslocal, boundary, boundarynormals):
    inv34 = _inv_rows03(posesglobal)
    wfl = waypointslocal.reshape(-1)

    idx, tbl = pl.pallas_call(
        _tc_stage,
        grid=(B,),
        in_specs=[
            pl.BlockSpec((1, 3, 4), lambda b: (b, 0, 0)),
            pl.BlockSpec((1, W, 3), lambda b: (b, 0, 0)),
            pl.BlockSpec((4, N), lambda b: (0, 0)),
            pl.BlockSpec((3, N), lambda b: (0, 0)),
        ],
        out_specs=[
            pl.BlockSpec((1, 1, W), lambda b: (b, 0, 0)),
            pl.BlockSpec((1, 4, N), lambda b: (b, 0, 0)),
        ],
        out_shape=[
            jax.ShapeDtypeStruct((B, 1, W), jnp.int32),
            jax.ShapeDtypeStruct((B, 4, N), jnp.float32),
        ],
        compiler_params=pltpu.CompilerParams(
            dimension_semantics=("parallel",),
        ),
    )(inv34, waypointslocal, boundary, boundarynormals)

    mesh = plsc.VectorSubcoreMesh(core_axis_name="c", subcore_axis_name="s")
    gather_fn = functools.partial(
        pl.kernel, mesh=mesh,
        out_type=jax.ShapeDtypeStruct((B * _LANES,), jnp.float32),
        scratch_types=[
            pltpu.VMEM((W,), jnp.int32),
            pltpu.VMEM((N,), jnp.float32),
            pltpu.VMEM((N,), jnp.float32),
            pltpu.VMEM((N,), jnp.float32),
            pltpu.VMEM((N,), jnp.float32),
            pltpu.VMEM((W * 3,), jnp.float32),
            pltpu.VMEM((_LANES,), jnp.float32),
        ],
        compiler_params=pltpu.CompilerParams(needs_layout_passes=False),
    )(_sc_stage)
    partials = gather_fn(idx.reshape(-1), tbl.reshape(-1), wfl)

    return jnp.sum(partials.reshape(B, _LANES)[:, 0]) * (1.0 / B)

# --- scband reference (transcript-rebuilt; emitter-appended) ---
"""Pipeline reference for scband-boundary-loss-4337916969636 (READ-ONLY COPY).

The authoritative reference and input builder live on the scoring server;
editing this copy changes nothing except your own understanding.
"""

import jax, jax.numpy as jnp
import numpy as np

B, W, N = 32, 128, 4096
ALPHA, BETA = 1.0, 0.5


def setup_inputs(seed: int = 0) -> dict:
    key = jax.random.key(seed)
    k1, k2, k3, k4 = jax.random.split(key, 4)
    # poses: random 4x4 + 3*I to guarantee well-conditioned invertibility
    posesglobal = jax.random.normal(k1, (B, 4, 4), dtype=jnp.float32) + 3.0 * jnp.eye(4, dtype=jnp.float32)
    waypointslocal = jax.random.normal(k2, (B, W, 3), dtype=jnp.float32)
    # frozen parameters (nn.Parameter, requires_grad=False)
    boundary = jax.random.normal(k3, (4, N), dtype=jnp.float32)
    boundarynormals = jax.random.normal(k4, (3, N), dtype=jnp.float32)
    return {
        "posesglobal": posesglobal,
        "waypointslocal": waypointslocal,
        "boundary": boundary,
        "boundarynormals": boundarynormals,
    }


def _cdist(a, b):
    # torch.cdist equivalent: (B, W, N) euclidean distances
    a2 = jnp.sum(a * a, axis=-1)[:, :, None]
    b2 = jnp.sum(b * b, axis=-1)[:, None, :]
    ab = jnp.einsum('bwd,bnd->bwn', a, b)
    d2 = jnp.clip(a2 + b2 - 2.0 * ab, 0.0, None)
    return jnp.sqrt(d2)


def _signed_distances(waypoints, boundarypoints, boundarynormals):
    dist = _cdist(waypoints, boundarypoints)            # (B, W, N)
    closest_point_idx = jnp.argmin(dist, axis=2)        # (B, W)
    cbp = jnp.take_along_axis(boundarypoints, closest_point_idx[:, :, None], axis=1)   # (B, W, 3)
    cbn = jnp.take_along_axis(boundarynormals, closest_point_idx[:, :, None], axis=1)  # (B, W, 3)
    delta = waypoints - cbp
    return closest_point_idx, jnp.sum(delta * cbn, axis=2)  # (B, W)


def _exp_relu(x):
    return jnp.where(x > 0.0, ALPHA * x + 1.0, jnp.exp(BETA * x))


def reference(posesglobal, waypointslocal, boundary, boundarynormals):
    posesinv = jnp.linalg.inv(posesglobal)                                   # (B, 4, 4)
    # transform homogeneous boundary points into each local frame
    bpl = jnp.swapaxes(jnp.matmul(posesinv, boundary)[:, 0:3, :], 1, 2)      # (B, N, 3)
    bnl = jnp.swapaxes(jnp.matmul(posesinv[:, 0:3, 0:3], boundarynormals), 1, 2)  # (B, N, 3)
    _, dot_prods = _signed_distances(waypointslocal, bpl, bnl)               # (B, W)
    dot_prods_relu = _exp_relu(dot_prods)  # p is None
    dot_prod_redux = jnp.mean(dot_prods_relu, axis=1)  # time_reduction='mean'
    return jnp.mean(dot_prod_redux)                    # batch_reduction='mean'

if __name__ == "__main__":
    import jax
    _d = setup_inputs()
    print(jax.jit(kernel)(*tuple(_d.values())))

</pallas_src>

<mosaic_0001>
#map = affine_map<(d0, d1) -> (0)>
module attributes {stable_mosaic.version = 14 : i64} {
  func.func @_sc_stage(%arg0: i32, %arg1: i32, %arg2: memref<4096xi32, #tpu.memory_space<hbm>>, %arg3: memref<524288xf32, #tpu.memory_space<hbm>>, %arg4: memref<12288xf32, #tpu.memory_space<hbm>>, %arg5: memref<512xf32, #tpu.memory_space<hbm>>, %arg6: memref<128xi32, #tpu.memory_space<vmem>>, %arg7: memref<4096xf32, #tpu.memory_space<vmem>>, %arg8: memref<4096xf32, #tpu.memory_space<vmem>>, %arg9: memref<4096xf32, #tpu.memory_space<vmem>>, %arg10: memref<4096xf32, #tpu.memory_space<vmem>>, %arg11: memref<384xf32, #tpu.memory_space<vmem>>, %arg12: memref<16xf32, #tpu.memory_space<vmem>>) attributes {dimension_semantics = [#tpu.dimension_semantics<core_parallel>, #tpu.dimension_semantics<subcore_parallel>], iteration_bounds = array<i64: 2, 16>, scalar_prefetch = 0 : i64, scratch_operands = 7 : i64, tpu.core_type = #tpu.core_type<sc_vector_subcore>, window_params = [{transform_indices = #map}, {transform_indices = #map}, {transform_indices = #map}, {transform_indices = #map}]} {
    %mul3A = arith.constant 2 : i32
    %mul3A_0 = arith.muli %arg1, %mul3A : i32
    %add3A = arith.addi %mul3A_0, %arg0 : i32
    %mul3A_1 = arith.constant 128 : i32
    %mul3A_2 = arith.muli %add3A, %mul3A_1 : i32
    "tpu.region"() ({
      %run_scoped3A = tpu.sem_alloc : memref<!tpu.dma_semaphore, #tpu.memory_space<semaphore_mem>>
      %dma_start3A = tpu.memref_slice %arg2[%mul3A_2] : memref<4096xi32, #tpu.memory_space<hbm>> -> memref<128xi32, #tpu.memory_space<hbm>>
      %dma_start3A_369 = tpu.memref_slice %arg2[%mul3A_2] : memref<4096xi32, #tpu.memory_space<hbm>> -> memref<128xi32, #tpu.memory_space<hbm>>
      tpu.enqueue_dma source(%dma_start3A_369 : memref<128xi32, #tpu.memory_space<hbm>>) target(%arg6 : memref<128xi32, #tpu.memory_space<vmem>>) target_semaphore(%run_scoped3A : memref<!tpu.dma_semaphore, #tpu.memory_space<semaphore_mem>>)
      %dma_wait3A = tpu.memref_slice %arg2[%mul3A_2] : memref<4096xi32, #tpu.memory_space<hbm>> -> memref<128xi32, #tpu.memory_space<hbm>>
      %dma_wait3A_370 = tpu.memref_slice %arg2[%mul3A_2] : memref<4096xi32, #tpu.memory_space<hbm>> -> memref<128xi32, #tpu.memory_space<hbm>>
      tpu.wait_dma2 semaphore(%run_scoped3A : memref<!tpu.dma_semaphore, #tpu.memory_space<semaphore_mem>>) src(%dma_wait3A_370 : memref<128xi32, #tpu.memory_space<hbm>>) dst(%arg6 : memref<128xi32, #tpu.memory_space<vmem>>)
      tpu.yield
    }) : () -> ()
    %mul3A_3 = arith.constant 4 : i32
    %mul3A_4 = arith.muli %add3A, %mul3A_3 : i32
    %add3A_5 = arith.constant 0 : i32
    %add3A_6 = arith.addi %mul3A_4, %add3A_5 : i32
    %mul3A_7 = arith.constant 4096 : i32
    %mul3A_8 = arith.muli %add3A_6, %mul3A_7 : i32
    "tpu.region"() ({
      %run_scoped3A = tpu.sem_alloc : memref<!tpu.dma_semaphore, #tpu.memory_space<semaphore_mem>>
      %dma_start3A = tpu.memref_slice %arg3[%mul3A_8] : memref<524288xf32, #tpu.memory_space<hbm>> -> memref<4096xf32, #tpu.memory_space<hbm>>
      %dma_start3A_369 = tpu.memref_slice %arg3[%mul3A_8] : memref<524288xf32, #tpu.memory_space<hbm>> -> memref<4096xf32, #tpu.memory_space<hbm>>
      tpu.enqueue_dma source(%dma_start3A_369 : memref<4096xf32, #tpu.memory_space<hbm>>) target(%arg7 : memref<4096xf32, #tpu.memory_space<vmem>>) target_semaphore(%run_scoped3A : memref<!tpu.dma_semaphore, #tpu.memory_space<semaphore_mem>>)
      %dma_wait3A = tpu.memref_slice %arg3[%mul3A_8] : memref<524288xf32, #tpu.memory_space<hbm>> -> memref<4096xf32, #tpu.memory_space<hbm>>
      %dma_wait3A_370 = tpu.memref_slice %arg3[%mul3A_8] : memref<524288xf32, #tpu.memory_space<hbm>> -> memref<4096xf32, #tpu.memory_space<hbm>>
      tpu.wait_dma2 semaphore(%run_scoped3A : memref<!tpu.dma_semaphore, #tpu.memory_space<semaphore_mem>>) src(%dma_wait3A_370 : memref<4096xf32, #tpu.memory_space<hbm>>) dst(%arg7 : memref<4096xf32, #tpu.memory_space<vmem>>)
      tpu.yield
    }) : () -> ()
    %mul3A_9 = arith.constant 4 : i32
    %mul3A_10 = arith.muli %add3A, %mul3A_9 : i32
    %add3A_11 = arith.constant 1 : i32
    %add3A_12 = arith.addi %mul3A_10, %add3A_11 : i32
    %mul3A_13 = arith.constant 4096 : i32
    %mul3A_14 = arith.muli %add3A_12, %mul3A_13 : i32
    "tpu.region"() ({
      %run_scoped3A = tpu.sem_alloc : memref<!tpu.dma_semaphore, #tpu.memory_space<semaphore_mem>>
      %dma_start3A = tpu.memref_slice %arg3[%mul3A_14] : memref<524288xf32, #tpu.memory_space<hbm>> -> memref<4096xf32, #tpu.memory_space<hbm>>
      %dma_start3A_369 = tpu.memref_slice %arg3[%mul3A_14] : memref<524288xf32, #tpu.memory_space<hbm>> -> memref<4096xf32, #tpu.memory_space<hbm>>
      tpu.enqueue_dma source(%dma_start3A_369 : memref<4096xf32, #tpu.memory_space<hbm>>) target(%arg8 : memref<4096xf32, #tpu.memory_space<vmem>>) target_semaphore(%run_scoped3A : memref<!tpu.dma_semaphore, #tpu.memory_space<semaphore_mem>>)
      %dma_wait3A = tpu.memref_slice %arg3[%mul3A_14] : memref<524288xf32, #tpu.memory_space<hbm>> -> memref<4096xf32, #tpu.memory_space<hbm>>
      %dma_wait3A_370 = tpu.memref_slice %arg3[%mul3A_14] : memref<524288xf32, #tpu.memory_space<hbm>> -> memref<4096xf32, #tpu.memory_space<hbm>>
      tpu.wait_dma2 semaphore(%run_scoped3A : memref<!tpu.dma_semaphore, #tpu.memory_space<semaphore_mem>>) src(%dma_wait3A_370 : memref<4096xf32, #tpu.memory_space<hbm>>) dst(%arg8 : memref<4096xf32, #tpu.memory_space<vmem>>)
      tpu.yield
    }) : () -> ()
    %mul3A_15 = arith.constant 4 : i32
    %mul3A_16 = arith.muli %add3A, %mul3A_15 : i32
    %add3A_17 = arith.constant 2 : i32
    %add3A_18 = arith.addi %mul3A_16, %add3A_17 : i32
    %mul3A_19 = arith.constant 4096 : i32
    %mul3A_20 = arith.muli %add3A_18, %mul3A_19 : i32
    "tpu.region"() ({
      %run_scoped3A = tpu.sem_alloc : memref<!tpu.dma_semaphore, #tpu.memory_space<semaphore_mem>>
      %dma_start3A = tpu.memref_slice %arg3[%mul3A_20] : memref<524288xf32, #tpu.memory_space<hbm>> -> memref<4096xf32, #tpu.memory_space<hbm>>
      %dma_start3A_369 = tpu.memref_slice %arg3[%mul3A_20] : memref<524288xf32, #tpu.memory_space<hbm>> -> memref<4096xf32, #tpu.memory_space<hbm>>
      tpu.enqueue_dma source(%dma_start3A_369 : memref<4096xf32, #tpu.memory_space<hbm>>) target(%arg9 : memref<4096xf32, #tpu.memory_space<vmem>>) target_semaphore(%run_scoped3A : memref<!tpu.dma_semaphore, #tpu.memory_space<semaphore_mem>>)
      %dma_wait3A = tpu.memref_slice %arg3[%mul3A_20] : memref<524288xf32, #tpu.memory_space<hbm>> -> memref<4096xf32, #tpu.memory_space<hbm>>
      %dma_wait3A_370 = tpu.memref_slice %arg3[%mul3A_20] : memref<524288xf32, #tpu.memory_space<hbm>> -> memref<4096xf32, #tpu.memory_space<hbm>>
      tpu.wait_dma2 semaphore(%run_scoped3A : memref<!tpu.dma_semaphore, #tpu.memory_space<semaphore_mem>>) src(%dma_wait3A_370 : memref<4096xf32, #tpu.memory_space<hbm>>) dst(%arg9 : memref<4096xf32, #tpu.memory_space<vmem>>)
      tpu.yield
    }) : () -> ()
    %mul3A_21 = arith.constant 4 : i32
    %mul3A_22 = arith.muli %add3A, %mul3A_21 : i32
    %add3A_23 = arith.constant 3 : i32
    %add3A_24 = arith.addi %mul3A_22, %add3A_23 : i32
    %mul3A_25 = arith.constant 4096 : i32
    %mul3A_26 = arith.muli %add3A_24, %mul3A_25 : i32
    "tpu.region"() ({
      %run_scoped3A = tpu.sem_alloc : memref<!tpu.dma_semaphore, #tpu.memory_space<semaphore_mem>>
      %dma_start3A = tpu.memref_slice %arg3[%mul3A_26] : memref<524288xf32, #tpu.memory_space<hbm>> -> memref<4096xf32, #tpu.memory_space<hbm>>
      %dma_start3A_369 = tpu.memref_slice %arg3[%mul3A_26] : memref<524288xf32, #tpu.memory_space<hbm>> -> memref<4096xf32, #tpu.memory_space<hbm>>
      tpu.enqueue_dma source(%dma_start3A_369 : memref<4096xf32, #tpu.memory_space<hbm>>) target(%arg10 : memref<4096xf32, #tpu.memory_space<vmem>>) target_semaphore(%run_scoped3A : memref<!tpu.dma_semaphore, #tpu.memory_space<semaphore_mem>>)
      %dma_wait3A = tpu.memref_slice %arg3[%mul3A_26] : memref<524288xf32, #tpu.memory_space<hbm>> -> memref<4096xf32, #tpu.memory_space<hbm>>
      %dma_wait3A_370 = tpu.memref_slice %arg3[%mul3A_26] : memref<524288xf32, #tpu.memory_space<hbm>> -> memref<4096xf32, #tpu.memory_space<hbm>>
      tpu.wait_dma2 semaphore(%run_scoped3A : memref<!tpu.dma_semaphore, #tpu.memory_space<semaphore_mem>>) src(%dma_wait3A_370 : memref<4096xf32, #tpu.memory_space<hbm>>) dst(%arg10 : memref<4096xf32, #tpu.memory_space<vmem>>)
      tpu.yield
    }) : () -> ()
    %mul3A_27 = arith.constant 384 : i32
    %mul3A_28 = arith.muli %add3A, %mul3A_27 : i32
    "tpu.region"() ({
      %run_scoped3A = tpu.sem_alloc : memref<!tpu.dma_semaphore, #tpu.memory_space<semaphore_mem>>
      %dma_start3A = tpu.memref_slice %arg4[%mul3A_28] : memref<12288xf32, #tpu.memory_space<hbm>> -> memref<384xf32, #tpu.memory_space<hbm>>
      %dma_start3A_369 = tpu.memref_slice %arg4[%mul3A_28] : memref<12288xf32, #tpu.memory_space<hbm>> -> memref<384xf32, #tpu.memory_space<hbm>>
      tpu.enqueue_dma source(%dma_start3A_369 : memref<384xf32, #tpu.memory_space<hbm>>) target(%arg11 : memref<384xf32, #tpu.memory_space<vmem>>) target_semaphore(%run_scoped3A : memref<!tpu.dma_semaphore, #tpu.memory_space<semaphore_mem>>)
      %dma_wait3A = tpu.memref_slice %arg4[%mul3A_28] : memref<12288xf32, #tpu.memory_space<hbm>> -> memref<384xf32, #tpu.memory_space<hbm>>
      %dma_wait3A_370 = tpu.memref_slice %arg4[%mul3A_28] : memref<12288xf32, #tpu.memory_space<hbm>> -> memref<384xf32, #tpu.memory_space<hbm>>
      tpu.wait_dma2 semaphore(%run_scoped3A : memref<!tpu.dma_semaphore, #tpu.memory_space<semaphore_mem>>) src(%dma_wait3A_370 : memref<384xf32, #tpu.memory_space<hbm>>) dst(%arg11 : memref<384xf32, #tpu.memory_space<vmem>>)
      tpu.yield
    }) : () -> ()
    %iota3A = tpu.iota {dimensions = array<i32: 0>} : vector<16xi32>
    %broadcast_in_dim3A = arith.constant 0.000000e+00 : f32
    %broadcast_in_dim3A_29 = vector.broadcast %broadcast_in_dim3A : f32 to vector<16xf32>
    %get3A = arith.constant 0 : index
    %get3A_30 = tpu.vector_load %arg6[%get3A] {strides = array<i32>} : memref<128xi32, #tpu.memory_space<vmem>>, vector<16xi32>,
    %gather3A = tpu.vector_load_idx %arg7[%get3A_30] : memref<4096xf32, #tpu.memory_space<vmem>>[vector<16xi32>], vector<16xf32>,
    %gather3A_31 = tpu.vector_load_idx %arg8[%get3A_30] : memref<4096xf32, #tpu.memory_space<vmem>>[vector<16xi32>], vector<16xf32>,
    %gather3A_32 = tpu.vector_load_idx %arg9[%get3A_30] : memref<4096xf32, #tpu.memory_space<vmem>>[vector<16xi32>], vector<16xf32>,
    %gather3A_33 = tpu.vector_load_idx %arg10[%get3A_30] : memref<4096xf32, #tpu.memory_space<vmem>>[vector<16xi32>], vector<16xf32>,
    %mul3A_34 = arith.constant 3 : i32
    %mul3A_35 = vector.broadcast %mul3A_34 : i32 to vector<16xi32>
    %mul3A_36 = arith.muli %iota3A, %mul3A_35 : vector<16xi32>
    %add3A_37 = arith.constant 0 : i32
    %add3A_38 = vector.broadcast %add3A_37 : i32 to vector<16xi32>
    %add3A_39 = arith.addi %mul3A_36, %add3A_38 : vector<16xi32>
    %gather3A_40 = tpu.vector_load_idx %arg11[%add3A_39] : memref<384xf32, #tpu.memory_space<vmem>>[vector<16xi32>], vector<16xf32>,
    %add3A_41 = arith.constant 1 : i32
    %add3A_42 = vector.broadcast %add3A_41 : i32 to vector<16xi32>
    %add3A_43 = arith.addi %add3A_39, %add3A_42 : vector<16xi32>
    %gather3A_44 = tpu.vector_load_idx %arg11[%add3A_43] : memref<384xf32, #tpu.memory_space<vmem>>[vector<16xi32>], vector<16xf32>,
    %add3A_45 = arith.constant 2 : i32
    %add3A_46 = vector.broadcast %add3A_45 : i32 to vector<16xi32>
    %add3A_47 = arith.addi %add3A_39, %add3A_46 : vector<16xi32>
    %gather3A_48 = tpu.vector_load_idx %arg11[%add3A_47] : memref<384xf32, #tpu.memory_space<vmem>>[vector<16xi32>], vector<16xf32>,
    %mul3A_49 = arith.mulf %gather3A_40, %gather3A : vector<16xf32>
    %mul3A_50 = arith.mulf %gather3A_44, %gather3A_31 : vector<16xf32>
    %add3A_51 = arith.addf %mul3A_49, %mul3A_50 : vector<16xf32>
    %mul3A_52 = arith.mulf %gather3A_48, %gather3A_32 : vector<16xf32>
    %add3A_53 = arith.addf %add3A_51, %mul3A_52 : vector<16xf32>
    %sub3A = arith.subf %add3A_53, %gather3A_33 : vector<16xf32>
    %gt3A = arith.constant 0.000000e+00 : f32
    %gt3A_54 = vector.broadcast %gt3A : f32 to vector<16xf32>
    %gt3A_55 = arith.cmpf ogt, %sub3A, %gt3A_54 : vector<16xf32>
    %mul3A_56 = arith.constant 1.000000e+00 : f32
    %mul3A_57 = vector.broadcast %mul3A_56 : f32 to vector<16xf32>
    %mul3A_58 = arith.mulf %mul3A_57, %sub3A : vector<16xf32>
    %add3A_59 = arith.constant 1.000000e+00 : f32
    %add3A_60 = vector.broadcast %add3A_59 : f32 to vector<16xf32>
    %add3A_61 = arith.addf %mul3A_58, %add3A_60 : vector<16xf32>
    %mul3A_62 = arith.constant 5.000000e-01 : f32
    %mul3A_63 = vector.broadcast %mul3A_62 : f32 to vector<16xf32>
    %mul3A_64 = arith.mulf %mul3A_63, %sub3A : vector<16xf32>
    %exp3A = math.exp %mul3A_64 : vector<16xf32>
    %select_n3A = arith.select %gt3A_55, %add3A_61, %exp3A : vector<16xi1>, vector<16xf32>
    %add3A_65 = arith.addf %broadcast_in_dim3A_29, %select_n3A : vector<16xf32>
    %get3A_66 = arith.constant 16 : index
    %get3A_67 = tpu.vector_load %arg6[%get3A_66] {strides = array<i32>} : memref<128xi32, #tpu.memory_space<vmem>>, vector<16xi32>,
    %gather3A_68 = tpu.vector_load_idx %arg7[%get3A_67] : memref<4096xf32, #tpu.memory_space<vmem>>[vector<16xi32>], vector<16xf32>,
    %gather3A_69 = tpu.vector_load_idx %arg8[%get3A_67] : memref<4096xf32, #tpu.memory_space<vmem>>[vector<16xi32>], vector<16xf32>,
    %gather3A_70 = tpu.vector_load_idx %arg9[%get3A_67] : memref<4096xf32, #tpu.memory_space<vmem>>[vector<16xi32>], vector<16xf32>,
    %gather3A_71 = tpu.vector_load_idx %arg10[%get3A_67] : memref<4096xf32, #tpu.memory_space<vmem>>[vector<16xi32>], vector<16xf32>,
    %mul3A_72 = arith.constant 3 : i32
    %mul3A_73 = vector.broadcast %mul3A_72 : i32 to vector<16xi32>
    %mul3A_74 = arith.muli %iota3A, %mul3A_73 : vector<16xi32>
    %add3A_75 = arith.constant 48 : i32
    %add3A_76 = vector.broadcast %add3A_75 : i32 to vector<16xi32>
    %add3A_77 = arith.addi %mul3A_74, %add3A_76 : vector<16xi32>
    %gather3A_78 = tpu.vector_load_idx %arg11[%add3A_77] : memref<384xf32, #tpu.memory_space<vmem>>[vector<16xi32>], vector<16xf32>,
    %add3A_79 = arith.constant 1 : i32
    %add3A_80 = vector.broadcast %add3A_79 : i32 to vector<16xi32>
    %add3A_81 = arith.addi %add3A_77, %add3A_80 : vector<16xi32>
    %gather3A_82 = tpu.vector_load_idx %arg11[%add3A_81] : memref<384xf32, #tpu.memory_space<vmem>>[vector<16xi32>], vector<16xf32>,
    %add3A_83 = arith.constant 2 : i32
    %add3A_84 = vector.broadcast %add3A_83 : i32 to vector<16xi32>
    %add3A_85 = arith.addi %add3A_77, %add3A_84 : vector<16xi32>
    %gather3A_86 = tpu.vector_load_idx %arg11[%add3A_85] : memref<384xf32, #tpu.memory_space<vmem>>[vector<16xi32>], vector<16xf32>,
    %mul3A_87 = arith.mulf %gather3A_78, %gather3A_68 : vector<16xf32>
    %mul3A_88 = arith.mulf %gather3A_82, %gather3A_69 : vector<16xf32>
    %add3A_89 = arith.addf %mul3A_87, %mul3A_88 : vector<16xf32>
    %mul3A_90 = arith.mulf %gather3A_86, %gather3A_70 : vector<16xf32>
    %add3A_91 = arith.addf %add3A_89, %mul3A_90 : vector<16xf32>
    %sub3A_92 = arith.subf %add3A_91, %gather3A_71 : vector<16xf32>
    %gt3A_93 = arith.constant 0.000000e+00 : f32
    %gt3A_94 = vector.broadcast %gt3A_93 : f32 to vector<16xf32>
    %gt3A_95 = arith.cmpf ogt, %sub3A_92, %gt3A_94 : vector<16xf32>
    %mul3A_96 = arith.constant 1.000000e+00 : f32
    %mul3A_97 = vector.broadcast %mul3A_96 : f32 to vector<16xf32>
    %mul3A_98 = arith.mulf %mul3A_97, %sub3A_92 : vector<16xf32>
    %add3A_99 = arith.constant 1.000000e+00 : f32
    %add3A_100 = vector.broadcast %add3A_99 : f32 to vector<16xf32>
    %add3A_101 = arith.addf %mul3A_98, %add3A_100 : vector<16xf32>
    %mul3A_102 = arith.constant 5.000000e-01 : f32
    %mul3A_103 = vector.broadcast %mul3A_102 : f32 to vector<16xf32>
    %mul3A_104 = arith.mulf %mul3A_103, %sub3A_92 : vector<16xf32>
    %exp3A_105 = math.exp %mul3A_104 : vector<16xf32>
    %select_n3A_106 = arith.select %gt3A_95, %add3A_101, %exp3A_105 : vector<16xi1>, vector<16xf32>
    %add3A_107 = arith.addf %add3A_65, %select_n3A_106 : vector<16xf32>
    %get3A_108 = arith.constant 32 : index
    %get3A_109 = tpu.vector_load %arg6[%get3A_108] {strides = array<i32>} : memref<128xi32, #tpu.memory_space<vmem>>, vector<16xi32>,
    %gather3A_110 = tpu.vector_load_idx %arg7[%get3A_109] : memref<4096xf32, #tpu.memory_space<vmem>>[vector<16xi32>], vector<16xf32>,
    %gather3A_111 = tpu.vector_load_idx %arg8[%get3A_109] : memref<4096xf32, #tpu.memory_space<vmem>>[vector<16xi32>], vector<16xf32>,
    %gather3A_112 = tpu.vector_load_idx %arg9[%get3A_109] : memref<4096xf32, #tpu.memory_space<vmem>>[vector<16xi32>], vector<16xf32>,
    %gather3A_113 = tpu.vector_load_idx %arg10[%get3A_109] : memref<4096xf32, #tpu.memory_space<vmem>>[vector<16xi32>], vector<16xf32>,
    %mul3A_114 = arith.constant 3 : i32
    %mul3A_115 = vector.broadcast %mul3A_114 : i32 to vector<16xi32>
    %mul3A_116 = arith.muli %iota3A, %mul3A_115 : vector<16xi32>
    %add3A_117 = arith.constant 96 : i32
    %add3A_118 = vector.broadcast %add3A_117 : i32 to vector<16xi32>
    %add3A_119 = arith.addi %mul3A_116, %add3A_118 : vector<16xi32>
    %gather3A_120 = tpu.vector_load_idx %arg11[%add3A_119] : memref<384xf32, #tpu.memory_space<vmem>>[vector<16xi32>], vector<16xf32>,
    %add3A_121 = arith.constant 1 : i32
    %add3A_122 = vector.broadcast %add3A_121 : i32 to vector<16xi32>
    %add3A_123 = arith.addi %add3A_119, %add3A_122 : vector<16xi32>
    %gather3A_124 = tpu.vector_load_idx %arg11[%add3A_123] : memref<384xf32, #tpu.memory_space<vmem>>[vector<16xi32>], vector<16xf32>,
    %add3A_125 = arith.constant 2 : i32
    %add3A_126 = vector.broadcast %add3A_125 : i32 to vector<16xi32>
    %add3A_127 = arith.addi %add3A_119, %add3A_126 : vector<16xi32>
    %gather3A_128 = tpu.vector_load_idx %arg11[%add3A_127] : memref<384xf32, #tpu.memory_space<vmem>>[vector<16xi32>], vector<16xf32>,
    %mul3A_129 = arith.mulf %gather3A_120, %gather3A_110 : vector<16xf32>
    %mul3A_130 = arith.mulf %gather3A_124, %gather3A_111 : vector<16xf32>
    %add3A_131 = arith.addf %mul3A_129, %mul3A_130 : vector<16xf32>
    %mul3A_132 = arith.mulf %gather3A_128, %gather3A_112 : vector<16xf32>
    %add3A_133 = arith.addf %add3A_131, %mul3A_132 : vector<16xf32>
    %sub3A_134 = arith.subf %add3A_133, %gather3A_113 : vector<16xf32>
    %gt3A_135 = arith.constant 0.000000e+00 : f32
    %gt3A_136 = vector.broadcast %gt3A_135 : f32 to vector<16xf32>
    %gt3A_137 = arith.cmpf ogt, %sub3A_134, %gt3A_136 : vector<16xf32>
    %mul3A_138 = arith.constant 1.000000e+00 : f32
    %mul3A_139 = vector.broadcast %mul3A_138 : f32 to vector<16xf32>
    %mul3A_140 = arith.mulf %mul3A_139, %sub3A_134 : vector<16xf32>
    %add3A_141 = arith.constant 1.000000e+00 : f32
    %add3A_142 = vector.broadcast %add3A_141 : f32 to vector<16xf32>
    %add3A_143 = arith.addf %mul3A_140, %add3A_142 : vector<16xf32>
    %mul3A_144 = arith.constant 5.000000e-01 : f32
    %mul3A_145 = vector.broadcast %mul3A_144 : f32 to vector<16xf32>
    %mul3A_146 = arith.mulf %mul3A_145, %sub3A_134 : vector<16xf32>
    %exp3A_147 = math.exp %mul3A_146 : vector<16xf32>
    %select_n3A_148 = arith.select %gt3A_137, %add3A_143, %exp3A_147 : vector<16xi1>, vector<16xf32>
    %add3A_149 = arith.addf %add3A_107, %select_n3A_148 : vector<16xf32>
    %get3A_150 = arith.constant 48 : index
    %get3A_151 = tpu.vector_load %arg6[%get3A_150] {strides = array<i32>} : memref<128xi32, #tpu.memory_space<vmem>>, vector<16xi32>,
    %gather3A_152 = tpu.vector_load_idx %arg7[%get3A_151] : memref<4096xf32, #tpu.memory_space<vmem>>[vector<16xi32>], vector<16xf32>,
    %gather3A_153 = tpu.vector_load_idx %arg8[%get3A_151] : memref<4096xf32, #tpu.memory_space<vmem>>[vector<16xi32>], vector<16xf32>,
    %gather3A_154 = tpu.vector_load_idx %arg9[%get3A_151] : memref<4096xf32, #tpu.memory_space<vmem>>[vector<16xi32>], vector<16xf32>,
    %gather3A_155 = tpu.vector_load_idx %arg10[%get3A_151] : memref<4096xf32, #tpu.memory_space<vmem>>[vector<16xi32>], vector<16xf32>,
    %mul3A_156 = arith.constant 3 : i32
    %mul3A_157 = vector.broadcast %mul3A_156 : i32 to vector<16xi32>
    %mul3A_158 = arith.muli %iota3A, %mul3A_157 : vector<16xi32>
    %add3A_159 = arith.constant 144 : i32
    %add3A_160 = vector.broadcast %add3A_159 : i32 to vector<16xi32>
    %add3A_161 = arith.addi %mul3A_158, %add3A_160 : vector<16xi32>
    %gather3A_162 = tpu.vector_load_idx %arg11[%add3A_161] : memref<384xf32, #tpu.memory_space<vmem>>[vector<16xi32>], vector<16xf32>,
    %add3A_163 = arith.constant 1 : i32
    %add3A_164 = vector.broadcast %add3A_163 : i32 to vector<16xi32>
    %add3A_165 = arith.addi %add3A_161, %add3A_164 : vector<16xi32>
    %gather3A_166 = tpu.vector_load_idx %arg11[%add3A_165] : memref<384xf32, #tpu.memory_space<vmem>>[vector<16xi32>], vector<16xf32>,
    %add3A_167 = arith.constant 2 : i32
    %add3A_168 = vector.broadcast %add3A_167 : i32 to vector<16xi32>
    %add3A_169 = arith.addi %add3A_161, %add3A_168 : vector<16xi32>
    %gather3A_170 = tpu.vector_load_idx %arg11[%add3A_169] : memref<384xf32, #tpu.memory_space<vmem>>[vector<16xi32>], vector<16xf32>,
    %mul3A_171 = arith.mulf %gather3A_162, %gather3A_152 : vector<16xf32>
    %mul3A_172 = arith.mulf %gather3A_166, %gather3A_153 : vector<16xf32>
    %add3A_173 = arith.addf %mul3A_171, %mul3A_172 : vector<16xf32>
    %mul3A_174 = arith.mulf %gather3A_170, %gather3A_154 : vector<16xf32>
    %add3A_175 = arith.addf %add3A_173, %mul3A_174 : vector<16xf32>
    %sub3A_176 = arith.subf %add3A_175, %gather3A_155 : vector<16xf32>
    %gt3A_177 = arith.constant 0.000000e+00 : f32
    %gt3A_178 = vector.broadcast %gt3A_177 : f32 to vector<16xf32>
    %gt3A_179 = arith.cmpf ogt, %sub3A_176, %gt3A_178 : vector<16xf32>
    %mul3A_180 = arith.constant 1.000000e+00 : f32
    %mul3A_181 = vector.broadcast %mul3A_180 : f32 to vector<16xf32>
    %mul3A_182 = arith.mulf %mul3A_181, %sub3A_176 : vector<16xf32>
    %add3A_183 = arith.constant 1.000000e+00 : f32
    %add3A_184 = vector.broadcast %add3A_183 : f32 to vector<16xf32>
    %add3A_185 = arith.addf %mul3A_182, %add3A_184 : vector<16xf32>
    %mul3A_186 = arith.constant 5.000000e-01 : f32
    %mul3A_187 = vector.broadcast %mul3A_186 : f32 to vector<16xf32>
    %mul3A_188 = arith.mulf %mul3A_187, %sub3A_176 : vector<16xf32>
    %exp3A_189 = math.exp %mul3A_188 : vector<16xf32>
    %select_n3A_190 = arith.select %gt3A_179, %add3A_185, %exp3A_189 : vector<16xi1>, vector<16xf32>
    %add3A_191 = arith.addf %add3A_149, %select_n3A_190 : vector<16xf32>
    %get3A_192 = arith.constant 64 : index
    %get3A_193 = tpu.vector_load %arg6[%get3A_192] {strides = array<i32>} : memref<128xi32, #tpu.memory_space<vmem>>, vector<16xi32>,
    %gather3A_194 = tpu.vector_load_idx %arg7[%get3A_193] : memref<4096xf32, #tpu.memory_space<vmem>>[vector<16xi32>], vector<16xf32>,
    %gather3A_195 = tpu.vector_load_idx %arg8[%get3A_193] : memref<4096xf32, #tpu.memory_space<vmem>>[vector<16xi32>], vector<16xf32>,
    %gather3A_196 = tpu.vector_load_idx %arg9[%get3A_193] : memref<4096xf32, #tpu.memory_space<vmem>>[vector<16xi32>], vector<16xf32>,
    %gather3A_197 = tpu.vector_load_idx %arg10[%get3A_193] : memref<4096xf32, #tpu.memory_space<vmem>>[vector<16xi32>], vector<16xf32>,
    %mul3A_198 = arith.constant 3 : i32
    %mul3A_199 = vector.broadcast %mul3A_198 : i32 to vector<16xi32>
    %mul3A_200 = arith.muli %iota3A, %mul3A_199 : vector<16xi32>
    %add3A_201 = arith.constant 192 : i32
    %add3A_202 = vector.broadcast %add3A_201 : i32 to vector<16xi32>
    %add3A_203 = arith.addi %mul3A_200, %add3A_202 : vector<16xi32>
    %gather3A_204 = tpu.vector_load_idx %arg11[%add3A_203] : memref<384xf32, #tpu.memory_space<vmem>>[vector<16xi32>], vector<16xf32>,
    %add3A_205 = arith.constant 1 : i32
    %add3A_206 = vector.broadcast %add3A_205 : i32 to vector<16xi32>
    %add3A_207 = arith.addi %add3A_203, %add3A_206 : vector<16xi32>
    %gather3A_208 = tpu.vector_load_idx %arg11[%add3A_207] : memref<384xf32, #tpu.memory_space<vmem>>[vector<16xi32>], vector<16xf32>,
    %add3A_209 = arith.constant 2 : i32
    %add3A_210 = vector.broadcast %add3A_209 : i32 to vector<16xi32>
    %add3A_211 = arith.addi %add3A_203, %add3A_210 : vector<16xi32>
    %gather3A_212 = tpu.vector_load_idx %arg11[%add3A_211] : memref<384xf32, #tpu.memory_space<vmem>>[vector<16xi32>], vector<16xf32>,
    %mul3A_213 = arith.mulf %gather3A_204, %gather3A_194 : vector<16xf32>
    %mul3A_214 = arith.mulf %gather3A_208, %gather3A_195 : vector<16xf32>
    %add3A_215 = arith.addf %mul3A_213, %mul3A_214 : vector<16xf32>
    %mul3A_216 = arith.mulf %gather3A_212, %gather3A_196 : vector<16xf32>
    %add3A_217 = arith.addf %add3A_215, %mul3A_216 : vector<16xf32>
    %sub3A_218 = arith.subf %add3A_217, %gather3A_197 : vector<16xf32>
    %gt3A_219 = arith.constant 0.000000e+00 : f32
    %gt3A_220 = vector.broadcast %gt3A_219 : f32 to vector<16xf32>
    %gt3A_221 = arith.cmpf ogt, %sub3A_218, %gt3A_220 : vector<16xf32>
    %mul3A_222 = arith.constant 1.000000e+00 : f32
    %mul3A_223 = vector.broadcast %mul3A_222 : f32 to vector<16xf32>
    %mul3A_224 = arith.mulf %mul3A_223, %sub3A_218 : vector<16xf32>
    %add3A_225 = arith.constant 1.000000e+00 : f32
    %add3A_226 = vector.broadcast %add3A_225 : f32 to vector<16xf32>
    %add3A_227 = arith.addf %mul3A_224, %add3A_226 : vector<16xf32>
    %mul3A_228 = arith.constant 5.000000e-01 : f32
    %mul3A_229 = vector.broadcast %mul3A_228 : f32 to vector<16xf32>
    %mul3A_230 = arith.mulf %mul3A_229, %sub3A_218 : vector<16xf32>
    %exp3A_231 = math.exp %mul3A_230 : vector<16xf32>
    %select_n3A_232 = arith.select %gt3A_221, %add3A_227, %exp3A_231 : vector<16xi1>, vector<16xf32>
    %add3A_233 = arith.addf %add3A_191, %select_n3A_232 : vector<16xf32>
    %get3A_234 = arith.constant 80 : index
    %get3A_235 = tpu.vector_load %arg6[%get3A_234] {strides = array<i32>} : memref<128xi32, #tpu.memory_space<vmem>>, vector<16xi32>,
    %gather3A_236 = tpu.vector_load_idx %arg7[%get3A_235] : memref<4096xf32, #tpu.memory_space<vmem>>[vector<16xi32>], vector<16xf32>,
    %gather3A_237 = tpu.vector_load_idx %arg8[%get3A_235] : memref<4096xf32, #tpu.memory_space<vmem>>[vector<16xi32>], vector<16xf32>,
    %gather3A_238 = tpu.vector_load_idx %arg9[%get3A_235] : memref<4096xf32, #tpu.memory_space<vmem>>[vector<16xi32>], vector<16xf32>,
    %gather3A_239 = tpu.vector_load_idx %arg10[%get3A_235] : memref<4096xf32, #tpu.memory_space<vmem>>[vector<16xi32>], vector<16xf32>,
    %mul3A_240 = arith.constant 3 : i32
    %mul3A_241 = vector.broadcast %mul3A_240 : i32 to vector<16xi32>
    %mul3A_242 = arith.muli %iota3A, %mul3A_241 : vector<16xi32>
    %add3A_243 = arith.constant 240 : i32
    %add3A_244 = vector.broadcast %add3A_243 : i32 to vector<16xi32>
    %add3A_245 = arith.addi %mul3A_242, %add3A_244 : vector<16xi32>
    %gather3A_246 = tpu.vector_load_idx %arg11[%add3A_245] : memref<384xf32, #tpu.memory_space<vmem>>[vector<16xi32>], vector<16xf32>,
    %add3A_247 = arith.constant 1 : i32
    %add3A_248 = vector.broadcast %add3A_247 : i32 to vector<16xi32>
    %add3A_249 = arith.addi %add3A_245, %add3A_248 : vector<16xi32>
    %gather3A_250 = tpu.vector_load_idx %arg11[%add3A_249] : memref<384xf32, #tpu.memory_space<vmem>>[vector<16xi32>], vector<16xf32>,
    %add3A_251 = arith.constant 2 : i32
    %add3A_252 = vector.broadcast %add3A_251 : i32 to vector<16xi32>
    %add3A_253 = arith.addi %add3A_245, %add3A_252 : vector<16xi32>
    %gather3A_254 = tpu.vector_load_idx %arg11[%add3A_253] : memref<384xf32, #tpu.memory_space<vmem>>[vector<16xi32>], vector<16xf32>,
    %mul3A_255 = arith.mulf %gather3A_246, %gather3A_236 : vector<16xf32>
    %mul3A_256 = arith.mulf %gather3A_250, %gather3A_237 : vector<16xf32>
    %add3A_257 = arith.addf %mul3A_255, %mul3A_256 : vector<16xf32>
    %mul3A_258 = arith.mulf %gather3A_254, %gather3A_238 : vector<16xf32>
    %add3A_259 = arith.addf %add3A_257, %mul3A_258 : vector<16xf32>
    %sub3A_260 = arith.subf %add3A_259, %gather3A_239 : vector<16xf32>
    %gt3A_261 = arith.constant 0.000000e+00 : f32
    %gt3A_262 = vector.broadcast %gt3A_261 : f32 to vector<16xf32>
    %gt3A_263 = arith.cmpf ogt, %sub3A_260, %gt3A_262 : vector<16xf32>
    %mul3A_264 = arith.constant 1.000000e+00 : f32
    %mul3A_265 = vector.broadcast %mul3A_264 : f32 to vector<16xf32>
    %mul3A_266 = arith.mulf %mul3A_265, %sub3A_260 : vector<16xf32>
    %add3A_267 = arith.constant 1.000000e+00 : f32
    %add3A_268 = vector.broadcast %add3A_267 : f32 to vector<16xf32>
    %add3A_269 = arith.addf %mul3A_266, %add3A_268 : vector<16xf32>
    %mul3A_270 = arith.constant 5.000000e-01 : f32
    %mul3A_271 = vector.broadcast %mul3A_270 : f32 to vector<16xf32>
    %mul3A_272 = arith.mulf %mul3A_271, %sub3A_260 : vector<16xf32>
    %exp3A_273 = math.exp %mul3A_272 : vector<16xf32>
    %select_n3A_274 = arith.select %gt3A_263, %add3A_269, %exp3A_273 : vector<16xi1>, vector<16xf32>
    %add3A_275 = arith.addf %add3A_233, %select_n3A_274 : vector<16xf32>
    %get3A_276 = arith.constant 96 : index
    %get3A_277 = tpu.vector_load %arg6[%get3A_276] {strides = array<i32>} : memref<128xi32, #tpu.memory_space<vmem>>, vector<16xi32>,
    %gather3A_278 = tpu.vector_load_idx %arg7[%get3A_277] : memref<4096xf32, #tpu.memory_space<vmem>>[vector<16xi32>], vector<16xf32>,
    %gather3A_279 = tpu.vector_load_idx %arg8[%get3A_277] : memref<4096xf32, #tpu.memory_space<vmem>>[vector<16xi32>], vector<16xf32>,
    %gather3A_280 = tpu.vector_load_idx %arg9[%get3A_277] : memref<4096xf32, #tpu.memory_space<vmem>>[vector<16xi32>], vector<16xf32>,
    %gather3A_281 = tpu.vector_load_idx %arg10[%get3A_277] : memref<4096xf32, #tpu.memory_space<vmem>>[vector<16xi32>], vector<16xf32>,
    %mul3A_282 = arith.constant 3 : i32
    %mul3A_283 = vector.broadcast %mul3A_282 : i32 to vector<16xi32>
    %mul3A_284 = arith.muli %iota3A, %mul3A_283 : vector<16xi32>
    %add3A_285 = arith.constant 288 : i32
    %add3A_286 = vector.broadcast %add3A_285 : i32 to vector<16xi32>
    %add3A_287 = arith.addi %mul3A_284, %add3A_286 : vector<16xi32>
    %gather3A_288 = tpu.vector_load_idx %arg11[%add3A_287] : memref<384xf32, #tpu.memory_space<vmem>>[vector<16xi32>], vector<16xf32>,
    %add3A_289 = arith.constant 1 : i32
    %add3A_290 = vector.broadcast %add3A_289 : i32 to vector<16xi32>
    %add3A_291 = arith.addi %add3A_287, %add3A_290 : vector<16xi32>
    %gather3A_292 = tpu.vector_load_idx %arg11[%add3A_291] : memref<384xf32, #tpu.memory_space<vmem>>[vector<16xi32>], vector<16xf32>,
    %add3A_293 = arith.constant 2 : i32
    %add3A_294 = vector.broadcast %add3A_293 : i32 to vector<16xi32>
    %add3A_295 = arith.addi %add3A_287, %add3A_294 : vector<16xi32>
    %gather3A_296 = tpu.vector_load_idx %arg11[%add3A_295] : memref<384xf32, #tpu.memory_space<vmem>>[vector<16xi32>], vector<16xf32>,
    %mul3A_297 = arith.mulf %gather3A_288, %gather3A_278 : vector<16xf32>
    %mul3A_298 = arith.mulf %gather3A_292, %gather3A_279 : vector<16xf32>
    %add3A_299 = arith.addf %mul3A_297, %mul3A_298 : vector<16xf32>
    %mul3A_300 = arith.mulf %gather3A_296, %gather3A_280 : vector<16xf32>
    %add3A_301 = arith.addf %add3A_299, %mul3A_300 : vector<16xf32>
    %sub3A_302 = arith.subf %add3A_301, %gather3A_281 : vector<16xf32>
    %gt3A_303 = arith.constant 0.000000e+00 : f32
    %gt3A_304 = vector.broadcast %gt3A_303 : f32 to vector<16xf32>
    %gt3A_305 = arith.cmpf ogt, %sub3A_302, %gt3A_304 : vector<16xf32>
    %mul3A_306 = arith.constant 1.000000e+00 : f32
    %mul3A_307 = vector.broadcast %mul3A_306 : f32 to vector<16xf32>
    %mul3A_308 = arith.mulf %mul3A_307, %sub3A_302 : vector<16xf32>
    %add3A_309 = arith.constant 1.000000e+00 : f32
    %add3A_310 = vector.broadcast %add3A_309 : f32 to vector<16xf32>
    %add3A_311 = arith.addf %mul3A_308, %add3A_310 : vector<16xf32>
    %mul3A_312 = arith.constant 5.000000e-01 : f32
    %mul3A_313 = vector.broadcast %mul3A_312 : f32 to vector<16xf32>
    %mul3A_314 = arith.mulf %mul3A_313, %sub3A_302 : vector<16xf32>
    %exp3A_315 = math.exp %mul3A_314 : vector<16xf32>
    %select_n3A_316 = arith.select %gt3A_305, %add3A_311, %exp3A_315 : vector<16xi1>, vector<16xf32>
    %add3A_317 = arith.addf %add3A_275, %select_n3A_316 : vector<16xf32>
    %get3A_318 = arith.constant 112 : index
    %get3A_319 = tpu.vector_load %arg6[%get3A_318] {strides = array<i32>} : memref<128xi32, #tpu.memory_space<vmem>>, vector<16xi32>,
    %gather3A_320 = tpu.vector_load_idx %arg7[%get3A_319] : memref<4096xf32, #tpu.memory_space<vmem>>[vector<16xi32>], vector<16xf32>,
    %gather3A_321 = tpu.vector_load_idx %arg8[%get3A_319] : memref<4096xf32, #tpu.memory_space<vmem>>[vector<16xi32>], vector<16xf32>,
    %gather3A_322 = tpu.vector_load_idx %arg9[%get3A_319] : memref<4096xf32, #tpu.memory_space<vmem>>[vector<16xi32>], vector<16xf32>,
    %gather3A_323 = tpu.vector_load_idx %arg10[%get3A_319] : memref<4096xf32, #tpu.memory_space<vmem>>[vector<16xi32>], vector<16xf32>,
    %mul3A_324 = arith.constant 3 : i32
    %mul3A_325 = vector.broadcast %mul3A_324 : i32 to vector<16xi32>
    %mul3A_326 = arith.muli %iota3A, %mul3A_325 : vector<16xi32>
    %add3A_327 = arith.constant 336 : i32
    %add3A_328 = vector.broadcast %add3A_327 : i32 to vector<16xi32>
    %add3A_329 = arith.addi %mul3A_326, %add3A_328 : vector<16xi32>
    %gather3A_330 = tpu.vector_load_idx %arg11[%add3A_329] : memref<384xf32, #tpu.memory_space<vmem>>[vector<16xi32>], vector<16xf32>,
    %add3A_331 = arith.constant 1 : i32
    %add3A_332 = vector.broadcast %add3A_331 : i32 to vector<16xi32>
    %add3A_333 = arith.addi %add3A_329, %add3A_332 : vector<16xi32>
    %gather3A_334 = tpu.vector_load_idx %arg11[%add3A_333] : memref<384xf32, #tpu.memory_space<vmem>>[vector<16xi32>], vector<16xf32>,
    %add3A_335 = arith.constant 2 : i32
    %add3A_336 = vector.broadcast %add3A_335 : i32 to vector<16xi32>
    %add3A_337 = arith.addi %add3A_329, %add3A_336 : vector<16xi32>
    %gather3A_338 = tpu.vector_load_idx %arg11[%add3A_337] : memref<384xf32, #tpu.memory_space<vmem>>[vector<16xi32>], vector<16xf32>,
    %mul3A_339 = arith.mulf %gather3A_330, %gather3A_320 : vector<16xf32>
    %mul3A_340 = arith.mulf %gather3A_334, %gather3A_321 : vector<16xf32>
    %add3A_341 = arith.addf %mul3A_339, %mul3A_340 : vector<16xf32>
    %mul3A_342 = arith.mulf %gather3A_338, %gather3A_322 : vector<16xf32>
    %add3A_343 = arith.addf %add3A_341, %mul3A_342 : vector<16xf32>
    %sub3A_344 = arith.subf %add3A_343, %gather3A_323 : vector<16xf32>
    %gt3A_345 = arith.constant 0.000000e+00 : f32
    %gt3A_346 = vector.broadcast %gt3A_345 : f32 to vector<16xf32>
    %gt3A_347 = arith.cmpf ogt, %sub3A_344, %gt3A_346 : vector<16xf32>
    %mul3A_348 = arith.constant 1.000000e+00 : f32
    %mul3A_349 = vector.broadcast %mul3A_348 : f32 to vector<16xf32>
    %mul3A_350 = arith.mulf %mul3A_349, %sub3A_344 : vector<16xf32>
    %add3A_351 = arith.constant 1.000000e+00 : f32
    %add3A_352 = vector.broadcast %add3A_351 : f32 to vector<16xf32>
    %add3A_353 = arith.addf %mul3A_350, %add3A_352 : vector<16xf32>
    %mul3A_354 = arith.constant 5.000000e-01 : f32
    %mul3A_355 = vector.broadcast %mul3A_354 : f32 to vector<16xf32>
    %mul3A_356 = arith.mulf %mul3A_355, %sub3A_344 : vector<16xf32>
    %exp3A_357 = math.exp %mul3A_356 : vector<16xf32>
    %select_n3A_358 = arith.select %gt3A_347, %add3A_353, %exp3A_357 : vector<16xi1>, vector<16xf32>
    %add3A_359 = arith.addf %add3A_317, %select_n3A_358 : vector<16xf32>
    %reduce_sum3A = arith.constant true
    %reduce_sum3A_360 = vector.broadcast %reduce_sum3A : i1 to vector<16xi1>
    %reduce_sum3A_361 = tpu.scan <sum>, %add3A_359 masked %reduce_sum3A_360 : vector<16xf32>, vector<16xi1> -> vector<16xf32>
    %reduce_sum3A_362 = vector.extract %reduce_sum3A_361[15] : f32 from vector<16xf32>
    %mul3A_363 = arith.constant 7.812500e-03 : f32
    %mul3A_364 = arith.mulf %reduce_sum3A_362, %mul3A_363 : f32
    %broadcast_in_dim3A_365 = vector.broadcast %mul3A_364 : f32 to vector<16xf32>
    %swap3A = arith.constant 0 : index
    %swap3A_366 = tpu.vector_load %arg12[%swap3A] {strides = array<i32>} : memref<16xf32, #tpu.memory_space<vmem>>, vector<16xf32>,
    tpu.vector_store %arg12[%swap3A], %broadcast_in_dim3A_365 {strides = array<i32>} : memref<16xf32, #tpu.memory_space<vmem>>, vector<16xf32>,
    %mul3A_367 = arith.constant 16 : i32
    %mul3A_368 = arith.muli %add3A, %mul3A_367 : i32
    "tpu.region"() ({
      %run_scoped3A = tpu.sem_alloc : memref<!tpu.dma_semaphore, #tpu.memory_space<semaphore_mem>>
      %dma_start3A = tpu.memref_slice %arg5[%mul3A_368] : memref<512xf32, #tpu.memory_space<hbm>> -> memref<16xf32, #tpu.memory_space<hbm>>
      %dma_start3A_369 = tpu.memref_slice %arg5[%mul3A_368] : memref<512xf32, #tpu.memory_space<hbm>> -> memref<16xf32, #tpu.memory_space<hbm>>
      tpu.enqueue_dma source(%arg12 : memref<16xf32, #tpu.memory_space<vmem>>) target(%dma_start3A_369 : memref<16xf32, #tpu.memory_space<hbm>>) target_semaphore(%run_scoped3A : memref<!tpu.dma_semaphore, #tpu.memory_space<semaphore_mem>>)
      %dma_wait3A = tpu.memref_slice %arg5[%mul3A_368] : memref<512xf32, #tpu.memory_space<hbm>> -> memref<16xf32, #tpu.memory_space<hbm>>
      %dma_wait3A_370 = tpu.memref_slice %arg5[%mul3A_368] : memref<512xf32, #tpu.memory_space<hbm>> -> memref<16xf32, #tpu.memory_space<hbm>>
      tpu.wait_dma2 semaphore(%run_scoped3A : memref<!tpu.dma_semaphore, #tpu.memory_space<semaphore_mem>>) src(%arg12 : memref<16xf32, #tpu.memory_space<vmem>>) dst(%dma_wait3A_370 : memref<16xf32, #tpu.memory_space<hbm>>)
      tpu.yield
    }) : () -> ()
    return
  }
}

module attributes {stable_mosaic.version = 14 : i64} {
  func.func @_tc_stage(%arg0: i32, %arg1: memref<1x3x4xf32, #tpu.memory_space<vmem>>, %arg2: memref<1x128x3xf32, #tpu.memory_space<vmem>>, %arg3: memref<4x4096xf32, #tpu.memory_space<vmem>>, %arg4: memref<3x4096xf32, #tpu.memory_space<vmem>>, %arg5: memref<1x1x128xi32, #tpu.memory_space<vmem>>, %arg6: memref<1x4x4096xf32, #tpu.memory_space<vmem>>) attributes {dimension_semantics = [#tpu.dimension_semantics<parallel>], iteration_bounds = array<i64: 32>, scalar_prefetch = 0 : i64, scratch_operands = 0 : i64, tpu.core_type = #tpu.core_type<tc>, window_params = [{transform_indices = @transform_0, window_bounds = array<i64: 1, 3, 4>}, {transform_indices = @transform_1, window_bounds = array<i64: 1, 128, 3>}, {pipeline_mode = #tpu.pipeline_mode<synchronous>, transform_indices = @transform_2, window_bounds = array<i64: 4, 4096>}, {pipeline_mode = #tpu.pipeline_mode<synchronous>, transform_indices = @transform_3, window_bounds = array<i64: 3, 4096>}, {transform_indices = @transform_4, window_bounds = array<i64: 1, 1, 128>}, {transform_indices = @transform_5, window_bounds = array<i64: 1, 4, 4096>}]} {
    %get3A = arith.constant 0 : index
    %get3A_0 = arith.constant 0 : index
    %get3A_1 = arith.constant 0 : index
    %get3A_2 = vector.load %arg1[%get3A, %get3A_0, %get3A_1] : memref<1x3x4xf32, #tpu.memory_space<vmem>>, vector<1x3x4xf32>
    %get3A_3 = vector.shape_cast %get3A_2 : vector<1x3x4xf32> to vector<3x4xf32>
    %convert_element_type3A = arith.truncf %get3A_3 : vector<3x4xf32> to vector<3x4xbf16>
    %get3A_4 = arith.constant 0 : index
    %get3A_5 = arith.constant 0 : index
    %get3A_6 = vector.load %arg3[%get3A_4, %get3A_5] : memref<4x4096xf32, #tpu.memory_space<vmem>>, vector<4x4096xf32>
    %convert_element_type3A_7 = arith.truncf %get3A_6 : vector<4x4096xf32> to vector<4x4096xbf16>
    %get3A_8 = arith.constant 0 : index
    %get3A_9 = arith.constant 0 : index
    %get3A_10 = vector.load %arg4[%get3A_8, %get3A_9] : memref<3x4096xf32, #tpu.memory_space<vmem>>, vector<3x4096xf32>
    %convert_element_type3A_11 = arith.truncf %get3A_10 : vector<3x4096xf32> to vector<3x4096xbf16>
    %dot_general3A = arith.constant dense<0.000000e+00> : vector<3x4096xf32>
    %dot_general3A_12 = tpu.matmul %convert_element_type3A, %convert_element_type3A_7, %dot_general3A {dimension_numbers = #tpu.dot_dimension_numbers<[1], [0], [0], [1], [0, 0, 1, 1], [], []>, transpose_lhs_hint = false} : vector<3x4xbf16>, vector<4x4096xbf16>, vector<3x4096xf32> -> vector<3x4096xf32>
    %slice3A = vector.extract_strided_slice %convert_element_type3A {offsets = [0, 0], sizes = [3, 3], strides = [1, 1]} : vector<3x4xbf16> to vector<3x3xbf16>
    %dot_general3A_13 = arith.constant dense<0.000000e+00> : vector<3x4096xf32>
    %dot_general3A_14 = tpu.matmul %slice3A, %convert_element_type3A_11, %dot_general3A_13 {dimension_numbers = #tpu.dot_dimension_numbers<[1], [0], [0], [1], [0, 0, 1, 1], [], []>, transpose_lhs_hint = false} : vector<3x3xbf16>, vector<3x4096xbf16>, vector<3x4096xf32> -> vector<3x4096xf32>
    %slice3A_15 = vector.extract_strided_slice %dot_general3A_12 {offsets = [0, 0], sizes = [1, 4096], strides = [1, 1]} : vector<3x4096xf32> to vector<1x4096xf32>
    %slice3A_16 = vector.extract_strided_slice %dot_general3A_12 {offsets = [1, 0], sizes = [1, 4096], strides = [1, 1]} : vector<3x4096xf32> to vector<1x4096xf32>
    %slice3A_17 = vector.extract_strided_slice %dot_general3A_12 {offsets = [2, 0], sizes = [1, 4096], strides = [1, 1]} : vector<3x4096xf32> to vector<1x4096xf32>
    %mul3A = arith.mulf %slice3A_15, %slice3A_15 : vector<1x4096xf32>
    %mul3A_18 = arith.mulf %slice3A_16, %slice3A_16 : vector<1x4096xf32>
    %add3A = arith.addf %mul3A, %mul3A_18 : vector<1x4096xf32>
    %mul3A_19 = arith.mulf %slice3A_17, %slice3A_17 : vector<1x4096xf32>
    %add3A_20 = arith.addf %add3A, %mul3A_19 : vector<1x4096xf32>
    %slice3A_21 = vector.extract_strided_slice %dot_general3A_14 {offsets = [0, 0], sizes = [1, 4096], strides = [1, 1]} : vector<3x4096xf32> to vector<1x4096xf32>
    %mul3A_22 = arith.mulf %slice3A_15, %slice3A_21 : vector<1x4096xf32>
    %slice3A_23 = vector.extract_strided_slice %dot_general3A_14 {offsets = [1, 0], sizes = [1, 4096], strides = [1, 1]} : vector<3x4096xf32> to vector<1x4096xf32>
    %mul3A_24 = arith.mulf %slice3A_16, %slice3A_23 : vector<1x4096xf32>
    %add3A_25 = arith.addf %mul3A_22, %mul3A_24 : vector<1x4096xf32>
    %slice3A_26 = vector.extract_strided_slice %dot_general3A_14 {offsets = [2, 0], sizes = [1, 4096], strides = [1, 1]} : vector<3x4096xf32> to vector<1x4096xf32>
    %mul3A_27 = arith.mulf %slice3A_17, %slice3A_26 : vector<1x4096xf32>
    %add3A_28 = arith.addf %add3A_25, %mul3A_27 : vector<1x4096xf32>
    %get3A_29 = arith.constant 0 : index
    %get3A_30 = arith.constant 0 : index
    %get3A_31 = arith.constant 0 : index
    %get3A_32 = vector.load %arg2[%get3A_29, %get3A_30, %get3A_31] : memref<1x128x3xf32, #tpu.memory_space<vmem>>, vector<1x128x3xf32>
    %get3A_33 = vector.shape_cast %get3A_32 : vector<1x128x3xf32> to vector<128x3xf32>
    %slice3A_34 = vector.extract_strided_slice %get3A_33 {offsets = [0, 0], sizes = [128, 1], strides = [1, 1]} : vector<128x3xf32> to vector<128x1xf32>
    %slice3A_35 = vector.extract_strided_slice %get3A_33 {offsets = [0, 1], sizes = [128, 1], strides = [1, 1]} : vector<128x3xf32> to vector<128x1xf32>
    %slice3A_36 = vector.extract_strided_slice %get3A_33 {offsets = [0, 2], sizes = [128, 1], strides = [1, 1]} : vector<128x3xf32> to vector<128x1xf32>
    %mul3A_37 = arith.mulf %slice3A_34, %slice3A_34 : vector<128x1xf32>
    %mul3A_38 = arith.mulf %slice3A_35, %slice3A_35 : vector<128x1xf32>
    %add3A_39 = arith.addf %mul3A_37, %mul3A_38 : vector<128x1xf32>
    %mul3A_40 = arith.mulf %slice3A_36, %slice3A_36 : vector<128x1xf32>
    %add3A_41 = arith.addf %add3A_39, %mul3A_40 : vector<128x1xf32>
    %mul3A_42 = arith.constant -2.000000e+00 : f32
    %mul3A_43 = vector.broadcast %mul3A_42 : f32 to vector<128x3xf32>
    %mul3A_44 = arith.mulf %get3A_33, %mul3A_43 : vector<128x3xf32>
    %convert_element_type3A_45 = arith.truncf %mul3A_44 : vector<128x3xf32> to vector<128x3xbf16>
    %convert_element_type3A_46 = arith.truncf %dot_general3A_12 : vector<3x4096xf32> to vector<3x4096xbf16>
    %dot_general3A_47 = arith.constant dense<0.000000e+00> : vector<128x4096xf32>
    %dot_general3A_48 = tpu.matmul %convert_element_type3A_45, %convert_element_type3A_46, %dot_general3A_47 {dimension_numbers = #tpu.dot_dimension_numbers<[1], [0], [0], [1], [0, 0, 1, 1], [], []>, transpose_lhs_hint = false} : vector<128x3xbf16>, vector<3x4096xbf16>, vector<128x4096xf32> -> vector<128x4096xf32>
    %add3A_49 = vector.broadcast %add3A_20 : vector<1x4096xf32> to vector<128x4096xf32>
    %add3A_50 = arith.addf %dot_general3A_48, %add3A_49 : vector<128x4096xf32>
    %reduce_min3A = arith.constant dense<0x7F800000> : vector<128xf32>
    %reduce_min3A_51 = vector.multi_reduction <minimumf>, %add3A_50, %reduce_min3A [1] : vector<128x4096xf32> to vector<128xf32>
    %broadcast_in_dim3A = vector.shape_cast %reduce_min3A_51 : vector<128xf32> to vector<128x1xf32>
    %neg3A = arith.constant 0.000000e+00 : f32
    %neg3A_52 = vector.broadcast %neg3A : f32 to vector<128x1xf32>
    %neg3A_53 = arith.subf %neg3A_52, %add3A_41 : vector<128x1xf32>
    %max3A = arith.maximumf %broadcast_in_dim3A, %neg3A_53 : vector<128x1xf32>
    %iota3A = tpu.iota {dimensions = array<i32: 1>} : vector<128x4096xi32>
    %le3A = vector.broadcast %max3A : vector<128x1xf32> to vector<128x4096xf32>
    %le3A_54 = arith.cmpf ole, %add3A_50, %le3A : vector<128x4096xf32>
    %jit3A = arith.constant 4096 : i32
    %broadcast_in_dim3A_55 = vector.broadcast %jit3A : i32 to vector<128x4096xi32>
    %select_n3A = arith.select %le3A_54, %iota3A, %broadcast_in_dim3A_55 : vector<128x4096xi1>, vector<128x4096xi32>
    %reduce_min3A_56 = arith.constant dense<2147483647> : vector<128xi32>
    %reduce_min3A_57 = vector.multi_reduction <minsi>, %select_n3A, %reduce_min3A_56 [1] : vector<128x4096xi32> to vector<128xi32>
    %swap3A = arith.constant 0 : index
    %swap3A_58 = arith.constant 0 : index
    %swap3A_59 = arith.constant 0 : index
    %swap3A_60 = vector.load %arg5[%swap3A, %swap3A_58, %swap3A_59] : memref<1x1x128xi32, #tpu.memory_space<vmem>>, vector<1x1x128xi32>
    %swap3A_61 = vector.shape_cast %swap3A_60 : vector<1x1x128xi32> to vector<128xi32>
    %swap3A_62 = vector.shape_cast %reduce_min3A_57 : vector<128xi32> to vector<1x1x128xi32>
    tpu.vector_store %arg5[%swap3A, %swap3A_58, %swap3A_59], %swap3A_62 {strides = array<i32>} : memref<1x1x128xi32, #tpu.memory_space<vmem>>, vector<1x1x128xi32>,
    %swap3A_63 = arith.constant 0 : index
    %swap3A_64 = arith.constant 0 : index
    %swap3A_65 = arith.constant 0 : index
    %swap3A_66 = vector.load %arg6[%swap3A_63, %swap3A_64, %swap3A_65] : memref<1x4x4096xf32, #tpu.memory_space<vmem>>, vector<1x3x4096xf32>
    %swap3A_67 = vector.shape_cast %swap3A_66 : vector<1x3x4096xf32> to vector<3x4096xf32>
    %swap3A_68 = vector.shape_cast %dot_general3A_14 : vector<3x4096xf32> to vector<1x3x4096xf32>
    tpu.vector_store %arg6[%swap3A_63, %swap3A_64, %swap3A_65], %swap3A_68 {strides = array<i32>} : memref<1x4x4096xf32, #tpu.memory_space<vmem>>, vector<1x3x4096xf32>,
    %swap3A_69 = arith.constant 0 : index
    %swap3A_70 = arith.constant 3 : index
    %swap3A_71 = arith.constant 0 : index
    %swap3A_72 = vector.load %arg6[%swap3A_69, %swap3A_70, %swap3A_71] : memref<1x4x4096xf32, #tpu.memory_space<vmem>>, vector<1x1x4096xf32>
    %swap3A_73 = vector.shape_cast %swap3A_72 : vector<1x1x4096xf32> to vector<1x4096xf32>
    %swap3A_74 = vector.shape_cast %add3A_28 : vector<1x4096xf32> to vector<1x1x4096xf32>
    tpu.vector_store %arg6[%swap3A_69, %swap3A_70, %swap3A_71], %swap3A_74 {strides = array<i32>} : memref<1x4x4096xf32, #tpu.memory_space<vmem>>, vector<1x1x4096xf32>,
    return
  }
  func.func @transform_0(%arg0: i32) -> (i32, i32, i32) {
    %c0_i32 = arith.constant 0 : i32
    %c0_i32_0 = arith.constant 0 : i32
    %c0_i32_1 = arith.constant 0 : i32
    return %arg0, %c0_i32, %c0_i32_0 : i32, i32, i32
  }
  func.func @transform_1(%arg0: i32) -> (i32, i32, i32) {
    %c0_i32 = arith.constant 0 : i32
    %c0_i32_0 = arith.constant 0 : i32
    %c0_i32_1 = arith.constant 0 : i32
    return %arg0, %c0_i32, %c0_i32_0 : i32, i32, i32
  }
  func.func @transform_2(%arg0: i32) -> (i32, i32) {
    %c0_i32 = arith.constant 0 : i32
    %c0_i32_0 = arith.constant 0 : i32
    %c0_i32_1 = arith.constant 0 : i32
    return %c0_i32, %c0_i32_0 : i32, i32
  }
  func.func @transform_3(%arg0: i32) -> (i32, i32) {
    %c0_i32 = arith.constant 0 : i32
    %c0_i32_0 = arith.constant 0 : i32
    %c0_i32_1 = arith.constant 0 : i32
    return %c0_i32, %c0_i32_0 : i32, i32
  }
  func.func @transform_4(%arg0: i32) -> (i32, i32, i32) {
    %c0_i32 = arith.constant 0 : i32
    %c0_i32_0 = arith.constant 0 : i32
    %c0_i32_1 = arith.constant 0 : i32
    return %arg0, %c0_i32, %c0_i32_0 : i32, i32, i32
  }
  func.func @transform_5(%arg0: i32) -> (i32, i32, i32) {
    %c0_i32 = arith.constant 0 : i32
    %c0_i32_0 = arith.constant 0 : i32
    %c0_i32_1 = arith.constant 0 : i32
    return %arg0, %c0_i32, %c0_i32_0 : i32, i32, i32
  }
}

</mosaic_0001>

<sc_bundles>
// kernel: kernel.4.cloned.1.call-start
scs
__scs_entry_jumppad:
0x0: {  	(pc) =	sbr.rel $0x88, $3  }
0x1: {  	(tag) =	ssettag $0x0;
	lr =	simm.s32 $0x1  }
0x2: {  	[smem:$0x3F9D] =	sst lr;
	_ =	strace $0xD0000000  }
0x3: {  	_ = 	snop  }
0x4: {  	_ = 	snop  }
0x5: {  	_ = 	snop  }
0x6: {  	_ = 	snop  }
0x7: {  	_ = 	snop  }
__scs_overlays_trampoline_lowered:
0x8: {  	[smem:$0x3FAC] =	sst s0  }
0x9: {  	[smem:$0x3FAD] =	sst s1  }
0xa: {  	[smem:$0x3FAE] =	sst s2  }
0xb: {  	[smem:$0x3FAF] =	sst s3  }
0xc: {  	[smem:$0x3FB0] =	sst s4  }
0xd: {  	[smem:$0x3FB1] =	sst s5  }
0xe: {  	[smem:$0x3FB2] =	sst s6  }
0xf: {  	[smem:$0x3FB3] =	sst s7  }
0x10: {  	[smem:$0x3FB4] =	sst s8  }
0x11: {  	[smem:$0x3FB5] =	sst s9;
	s0 =	simm.s32 @!p0 $0x0  }
0x12: {  	s1 =	sld [smem:$0x3F9B];
	s0 =	simm.s32 @p0 $0x1  }
0x13: {  	[smem:$0x3FB6] =	sst s0;
	s0 =	simm.s32 @!p1 $0x0  }
0x14: {  	s2 =	sld [smem:$0x3F9A];
	s0 =	simm.s32 @p1 $0x1  }
0x15: {  	[smem:$0x3FB7] =	sst s0;
	s0 =	simm.s32 @!p2 $0x0  }
0x16: {  	s3 =	sld [smem:$0x3FDB];
	s0 =	simm.s32 @p2 $0x1  }
0x17: {  	s4 =	simm.s32 $0x1BF5;
	[smem:$0x3FB9] =	sst s0  }
0x18: {  	s0 =	sld [smem:$0x3F9C];
	_ =	swait.ge [sflag:s4], $0x0  }
0x19: {  	s7 =	sld [smem:$0x3F9D]  }
0x1a: {  	s8 =	sadd.s32 $0xFFFFE003, lr  }
0x1b: {  	s9 =	sadd.s32 $0xFFFFFEF7, lr;
	s5 =	simm.s32 $0xFFFFFFFF;
	p2 =	slt.u32 s8, $0xFFFFF086  }
0x1c: {  	p1 =	slt.u32 s9, $0xF7A;
	s5 =	simm.s32 @!p2 $0x0  }
0x1d: {  	s5 =	simm.s32 @p1 $0x1;
	p0 =	seq.s32 s7, s2  }
0x1e: {  	s7 =	smul.u32 @!p0 $0xF7A, s2;
	p2 =	seq.s32 @!p0 s5, $0x0  }
0x1f: {  	s9 =	smul.u32 $0xF7A, s1;
	s8 =	simm.s32 @!p0 $0x1BF5;
	p2 =	por !p2, p0  }
0x20: {  	[sflag:s8] =	ssyncset.s32 @!p0 $0xFFFFF086;
	s6 =	sadd.s32 @!p0 s3, s7;
	s7 =	simm.s32 @!p0 $0x108  }
0x21: {  	s3 =	sadd.s32 s3, s9;
	s6 =	sadd.s32 @!p0 $0x88, s6;
	s7 =	simm.s32 @p2 $0x1082  }
0x22: {  	[simem:s7], [sflag:s8] =	dma.local @!p0 [hbm:s6], $0xF7A  }
0x23: {  	s9 =	sor.u32 $0xD0000000, s2;
	s6 =	simm.s32 $0x108;
	_ =	swait.ge @!p0 [sflag:s8], $0x0  }
0x24: {  	s3 =	sadd.s32 $0x88, s3;
	s6 =	simm.s32 @!p1 $0x1082;
	[sflag:s4] =	ssyncset.s32 $0xFFFFF086  }
0x25: {  	[simem:s6], [sflag:s4] =	dma.local [hbm:s3], $0xF7A  }
0x26: {  	[smem:$0x3F9D] =	sst s1;
	(tag) =	ssettag s2;
	_ =	strace s9  }
0x27: {  	s1 =	sld [smem:$0x3FAD]  }
0x28: {  	s2 =	sld [smem:$0x3FAE]  }
0x29: {  	s4 =	sld [smem:$0x3FB0]  }
0x2a: {  	p0 =	seq.s32 s5, $0x0;
	s5 =	sld [smem:$0x3FB1]  }
0x2b: {  	s6 =	sld [smem:$0x3FB2]  }
0x2c: {  	s7 =	sld [smem:$0x3FB3]  }
0x2d: {  	s3 =	simm.s32 $0x108;
	s8 =	sld [smem:$0x3FB4]  }
0x2e: {  	s3 =	simm.s32 @!p0 $0x1082;
	s9 =	sld [smem:$0x3FB5]  }
0x2f: {  	lr =	sadd.s32 s0, s3;
	s0 =	sld [smem:$0x3FAC]  }
0x30: {  	s3 =	sld [smem:$0x3FAF]  }
0x31: {  	[smem:$0x3FB8] =	sst s10  }
0x32: {  	s10 =	sld [smem:$0x3FB6];
	_ =	sdelay $0x3  }
0x33: {  	p0 =	seq.s32 s10, $0x1;
	s10 =	sld [smem:$0x3FB8];
	_ =	sdelay $0x3  }
0x34: {  	[smem:$0x3FB8] =	sst s10  }
0x35: {  	s10 =	sld [smem:$0x3FB7];
	_ =	sdelay $0x3  }
0x36: {  	p1 =	seq.s32 s10, $0x1;
	s10 =	sld [smem:$0x3FB8];
	_ =	sdelay $0x3  }
0x37: {  	[smem:$0x3FB8] =	sst s10  }
0x38: {  	s10 =	sld [smem:$0x3FB9]  }
0x39: {  	_ = 	snop;
	(pc) =	sbr.ind lr, $3  }
0x3a: {  	_ = 	snop  }
0x3b: {  	_ = 	snop  }
0x3c: {  	p2 =	seq.s32 s10, $0x1;
	s10 =	sld [smem:$0x3FB8]  }
0x3d: {  	_ =	shalt  }
0x3e: {  	_ =	shalt  }
0x3f: {  	_ =	shalt  }
0x40: {  	_ =	shalt  }
0x41: {  	_ =	shalt  }
0x42: {  	_ =	shalt  }
0x43: {  	_ =	shalt  }
0x44: {  	_ =	shalt  }
0x45: {  	_ =	shalt  }
0x46: {  	_ =	shalt  }
0x47: {  	_ =	shalt  }
0x48: {  	_ =	shalt  }
0x49: {  	_ =	shalt  }
0x4a: {  	_ =	shalt  }
0x4b: {  	_ =	shalt  }
0x4c: {  	_ =	shalt  }
0x4d: {  	_ =	shalt  }
0x4e: {  	_ =	shalt  }
0x4f: {  	_ =	shalt  }
0x50: {  	_ =	shalt  }
0x51: {  	_ =	shalt  }
0x52: {  	_ =	shalt  }
0x53: {  	_ =	shalt  }
0x54: {  	_ =	shalt  }
0x55: {  	_ =	shalt  }
0x56: {  	_ =	shalt  }
0x57: {  	_ =	shalt  }
0x58: {  	_ =	shalt  }
0x59: {  	_ =	shalt  }
0x5a: {  	_ =	shalt  }
0x5b: {  	_ =	shalt  }
0x5c: {  	_ =	shalt  }
0x5d: {  	_ =	shalt  }
0x5e: {  	_ =	shalt  }
0x5f: {  	_ =	shalt  }
0x60: {  	_ =	shalt  }
0x61: {  	_ =	shalt  }
0x62: {  	_ =	shalt  }
0x63: {  	_ =	shalt  }
0x64: {  	_ =	shalt  }
0x65: {  	_ =	shalt  }
0x66: {  	_ =	shalt  }
0x67: {  	_ =	shalt  }
0x68: {  	_ =	shalt  }
0x69: {  	_ =	shalt  }
0x6a: {  	_ =	shalt  }
0x6b: {  	_ =	shalt  }
0x6c: {  	_ =	shalt  }
0x6d: {  	_ =	shalt  }
0x6e: {  	_ =	shalt  }
0x6f: {  	_ =	shalt  }
0x70: {  	_ =	shalt  }
0x71: {  	_ =	shalt  }
0x72: {  	_ =	shalt  }
0x73: {  	_ =	shalt  }
0x74: {  	_ =	shalt  }
0x75: {  	_ =	shalt  }
0x76: {  	_ =	shalt  }
0x77: {  	_ =	shalt  }
0x78: {  	_ =	shalt  }
0x79: {  	_ =	shalt  }
0x7a: {  	_ =	shalt  }
0x7b: {  	_ =	shalt  }
0x7c: {  	_ =	shalt  }
0x7d: {  	_ =	shalt  }
0x7e: {  	_ =	shalt  }
0x7f: {  	_ =	shalt  }
0x80: {  	_ =	shalt  }
0x81: {  	_ =	shalt  }
0x82: {  	_ =	shalt  }
0x83: {  	_ =	shalt  }
0x84: {  	_ =	shalt  }
0x85: {  	_ =	shalt  }
0x86: {  	_ =	shalt  }
0x87: {  	_ =	shalt  }
.Lfunc_end0:
.L_simem_size_0:
called_computation_lowered:
.L_overlay_start_0:
0x88: {  	s2 =	sld [smem:$0x3FD9]  }
0x89: {  	s3 =	sld [smem:$0x3FFE];
	_ =	sdelay $0x1  }
0x8a: {  	s1 =	srdreg.scid  }
0x8b: {  	s0 =	sand.u32 $0x1, s1  }
0x8c: {  	s16 =	sshll.u32 s0, $0xA;
	s2 =	sadd.s32 s3, s2  }
0x8d: {  	s2 =	sadd.s32 s2, s16  }
0x8e: {  	[smem:$0x3FC4] =	sst s2  }
0x8f: {  	_ = 	snop  }
0x90: {  	(tm) =	ssettm $0x1  }
0x91: {  	s17 =	sld [smem:$0x3FFB];
	_ =	sdelay $0x3  }
0x92: {  	_ =	strace s17  }
0x93: {  	s2 =	sld [smem:$0x3FFC];
	_ =	sdelay $0x3  }
0x94: {  	_ =	strace s2  }
0x95: {  	s2 =	sld [smem:$0x3FFD];
	_ =	sdelay $0x3  }
0x96: {  	_ =	strace s2  }
0x97: {  	_ =	strace $0x8FFFFFFF  }
0x98: {  	s18 =	sld [smem:$0x3FDB];
	_ =	sdelay $0x1  }
0x99: {  	s19 =	simm.s32 $_scs_section_size  }
0x9a: {  	s4 =	simm.s32 $_size__tile_overlayer_lowered;
	s5 =	simm.s32 $_tile_overlayer_lowered  }
0x9b: {  	s22 =	simm.s32 $0x1BFF;
	s21 =	sshll.u32 s5, $0x1;
	s2 =	sadd.s32 s19, s18  }
0x9c: {  	s6 =	simm.s32 $0x0;
	s20 =	sshll.u32 s4, $0x1;
	s4 =	sadd.s32 s21, s2  }
0x9d: {  	[timem:s6], [sflag:s22] =	dma.local [hbm:s4], s20  }
0x9e: {  	_ =	swait.ge [sflag:s22], s20  }
0x9f: {  	s3 =	ssub.s32 $0x0, s20;
	[sflag:s22] =	ssyncset.done $0x0  }
0xa0: {  	[sflag:s22] =	ssyncadd.s32 s3;
	_ =	sdelay $0x1  }
0xa1: {  	s23 =	simm.s32 $0x1B8B  }
0xa2: {  	_ =	swait.ge [sflag:s23], $0x1  }
0xa3: {  	[sflag:s23] =	ssyncset.done $0x0  }
0xa4: {  	s25 =	simm.s32 $0x1B8E;
	s24 =	sld [smem:$0x3FFE];
	[sflag:s23] =	ssyncadd.s32 $0xFFFFFFFF  }
0xa5: {  	s26 =	simm.s32 $execute0_lowered;
	[smem:$0x3FD2] =	sst s25  }
0xa6: {  	s4 =	sshll.u32 s26, $0x1;
	_ =	strace $0x80000046;
	[dreg:$0x1] =	wrdreg $0xFFFFFFFF  }
0xa7: {  	s28 =	simm.s32 $_size_execute0_lowered;
	s2 =	sadd.s32 s2, s4;
	[dreg:$0x0] =	wrdreg $0x0  }
0xa8: {  	s4 =	sshll.u32 s28, $0x1;
	[dreg:$0x2] =	wrdreg s2  }
0xa9: {  	[dreg:$0x3] =	wrdreg s4  }
0xaa: {  	[dreg:$0x4] =	wrdreg $0xC0  }
0xab: {  	_ =	task [dreg:s6], $0x5FFFF  }
0xac: {  	[dreg:$0x1] =	wrdreg $0xFFFFFFFF  }
0xad: {  	[dreg:$0x0] =	wrdreg $0x60  }
0xae: {  	[dreg:$0x2] =	wrdreg s24  }
0xaf: {  	[dreg:$0x3] =	wrdreg $0x9  }
0xb0: {  	_ =	task.clear_ibuf [dreg:s6], $0x4FFFF;
	_ =	strace $0x90000046  }
0xb1: {  	s29 =	simm.s32 $0x9;
	_ =	strace $0x80000048  }
0xb2: {  	_ =	swait.ge [sflag:s29], $0x1  }
0xb3: {  	[sflag:s29] =	ssyncadd.s32 $0xFFFFFFFF  }
0xb4: {  	_ =	strace $0x90000048  }
0xb5: {  	_ =	sfence  }
0xb6: {  	s30 =	sld [smem:$0x0];
	_ =	sdelay $0x2  }
0xb7: {  	s31 =	sshll.u32 s1, $0xD;
	s1 =	sshrl.u32 s1, $0x2  }
0xb8: {  	s3 =	sand.u32 $0x4000, s31;
	s1 =	sadd.s32 s1, s30  }
0xb9: {  	s0 =	sor.u32 s3, s0;
	s1 =	sshll.u32 s1, $0x11  }
0xba: {  	s0 =	sor.u32 s1, s0  }
0xbb: {  	s0 =	sadd.s32 $0x8F2B, s0  }
0xbc: {  	[sflag:s0] =	ssyncadd.remote.s32 $0x1  }
0xbd: {  	_ =	sfence.sel $0xFFFF  }
0xbe: {  	[dreg:$0x0] =	wrdreg $0xFFFFFFFF;
	(pc) =	sbr.abs _section_cstart, $3  }
0xbf: {  	[dreg:$0x1] =	wrdreg $0xFFFFFFFF  }
0xc0: {  	_ =	task.clear_ibuf [dreg:s6], $0x2FFFF;
	_ =	strace $0x9FFFFFFF  }
0xc1: {  	(tm) =	ssettm $0x7FFFFFFF  }
tec
execute0_lowered:
.L_overlay_start_1:
0x0: {  	(tag) =	ssettag $0x1  }
0x1: {  	s1 =	srdreg.scid  }
0x2: {  	s0 =	stileid.u32;
	s3 =	rddreg [dreg:$0x0]  }
0x3: {  	s2 =	simm.s32 $0x0;
	v0 =	vlaneseq.u32;
	s12 =	simm.s32 $0x80;
	s13 =	simm.s32 $0x1080  }
0x4: {  	s14 =	simm.s32 $0x2080;
	s15 =	simm.s32 $0x3080;
	s16 =	simm.s32 $0x4080;
	v0 =	vmul.u32 $0x3, v0  }
0x5: {  	s4 =	sand.u32 $0x1, s1;
	s5 =	sshll.u32 s0, $0x1;
	s1 =	rddreg [dreg:$0x1]  }
0x6: {  	s17 =	simm.s32 $0x4200;
	[smem:$0x7FF] =	sst s2;
	s5 =	sor.u32 s4, s5;
	v1 =	vadd.s32 $0x1, v0;
	v2 =	vadd.s32 $0x2, v0  }
0x7: {  	_ =	strace $0x80000047;
	s4 =	ssub.s32 $0x2, s4;
	s6 =	sshll.u32 s5, $0x4;
	v3 =	vadd.s32 $0x30, v0;
	v4 =	vadd.s32 $0x31, v0;
	v5 =	vadd.s32 $0x32, v0  }
0x8: {  	s7 =	sshll.u32 s5, $0xB;
	s8 =	smul.u32 $0x30, s5;
	s5 =	sshll.u32 s5, $0x1;
	v6 =	vadd.s32 $0x60, v0;
	v7 =	vadd.s32 $0x61, v0;
	v8 =	vadd.s32 $0x62, v0  }
0x9: {  	s9 =	sshrl.u32 s4, $0x1;
	v9 =	vadd.s32 $0x90, v0;
	v10 =	vadd.s32 $0x91, v0;
	v11 =	vadd.s32 $0x92, v0;
	s6 =	sadd.s32 s6, s3;
	s7 =	sadd.s32 s7, s3  }
0xa: {  	v12 =	vor.u32 $0xC0, v0;
	v13 =	vadd.s32 $0xC1, v0;
	v14 =	vadd.s32 $0xC2, v0;
	s10 =	sadd.s32 s5, s3;
	s11 =	ssub.s32 s4, s9;
	s8 =	sadd.s32 s8, s3  }
0xb: {  	v15 =	vadd.s32 $0xF0, v0;
	v16 =	vadd.s32 $0xF1, v0;
	v17 =	vadd.s32 $0xF2, v0;
	s3 =	sadd.s32 $0x1800, s6;
	s4 =	sadd.s32 $0x1A00, s7;
	s5 =	sadd.s32 $0x1C00, s7  }
0xc: {  	v18 =	vadd.s32 $0x120, v0;
	v19 =	vadd.s32 $0x121, v0;
	v20 =	vadd.s32 $0x122, v0;
	s6 =	sadd.s32 $0x1E00, s7;
	s7 =	sadd.s32 $0x2000, s7;
	s9 =	sadd.s32 $0x11A00, s10  }
0xd: {  	v21 =	vadd.s32 $0x150, v0;
	v22 =	vadd.s32 $0x151, v0;
	v23 =	vadd.s32 $0x152, v0;
	s10 =	smax.u32 s11, $0x1;
	s11 =	simm.s32 $0x1;
	s8 =	sadd.s32 $0x1200, s8  }
.LBB2_1:
0xe: {  	[tilespmem:s2], [sflag:$0x1] =	stream.linear.gather [hbm4b:s3+s2], $0x80, $0x38;
	[tilespmem:$0x4280] =	vst v63  }
0xf: {  	_ =	swait.ge [sflag:s11], $0x80  }
0x10: {  	[sflag:s11] =	ssyncset.done $0x0  }
0x11: {  	[sflag:s11] =	ssyncadd.s32 $0xFFFFFF80  }
0x12: {  	[tilespmem:s12], [sflag:$0x1] =	stream.linear.gather [hbm4b:s4+s2], $0x1000, $0x38;
	[tilespmem:$0x4280] =	vst v63  }
0x13: {  	_ =	swait.ge [sflag:s11], $0x1000  }
0x14: {  	[sflag:s11] =	ssyncset.done $0x0  }
0x15: {  	[sflag:s11] =	ssyncadd.s32 $0xFFFFF000  }
0x16: {  	[tilespmem:s13], [sflag:$0x1] =	stream.linear.gather [hbm4b:s5+s2], $0x1000, $0x38;
	[tilespmem:$0x4280] =	vst v63  }
0x17: {  	_ =	swait.ge [sflag:s11], $0x1000  }
0x18: {  	[sflag:s11] =	ssyncset.done $0x0  }
0x19: {  	[sflag:s11] =	ssyncadd.s32 $0xFFFFF000  }
0x1a: {  	[tilespmem:s14], [sflag:$0x1] =	stream.linear.gather [hbm4b:s6+s2], $0x1000, $0x38;
	[tilespmem:$0x4280] =	vst v63  }
0x1b: {  	_ =	swait.ge [sflag:s11], $0x1000  }
0x1c: {  	[sflag:s11] =	ssyncset.done $0x0  }
0x1d: {  	[sflag:s11] =	ssyncadd.s32 $0xFFFFF000  }
0x1e: {  	[tilespmem:s15], [sflag:$0x1] =	stream.linear.gather [hbm4b:s7+s2], $0x1000, $0x38;
	[tilespmem:$0x4280] =	vst v63  }
0x1f: {  	_ =	swait.ge [sflag:s11], $0x1000  }
0x20: {  	[sflag:s11] =	ssyncset.done $0x0  }
0x21: {  	[sflag:s11] =	ssyncadd.s32 $0xFFFFF000  }
0x22: {  	[tilespmem:s16], [sflag:$0x1] =	stream.linear.gather [hbm4b:s8+s2], $0x180, $0x38;
	[tilespmem:$0x4280] =	vst v63  }
0x23: {  	_ =	swait.ge [sflag:s11], $0x180  }
0x24: {  	[sflag:s11] =	ssyncset.done $0x0  }
0x25: {  	[sflag:s11] =	ssyncadd.s32 $0xFFFFFE80  }
0x26: {  	v24 =	vld [tilespmem:$0x0]  }
0x27: {  	v25 =	vld [tilespmem:$0x10]  }
0x28: {  	v29 =	vld.idx.msk [tilespmem:v0+s16+$0x0], $0xffff  }
0x29: {  	v30 =	vld.idx.msk [tilespmem:v1+s16+$0x0], $0xffff  }
0x2a: {  	v31 =	vld.idx.msk [tilespmem:v2+s16+$0x0], $0xffff  }
0x2b: {  	v33 =	vld [tilespmem:$0x20]  }
0x2c: {  	v36 =	vld.idx.msk [tilespmem:v3+s16+$0x0], $0xffff  }
0x2d: {  	v37 =	vld.idx.msk [tilespmem:v4+s16+$0x0], $0xffff  }
0x2e: {  	v38 =	vld.idx.msk [tilespmem:v5+s16+$0x0], $0xffff  }
0x2f: {  	v39 =	vld [tilespmem:$0x30]  }
0x30: {  	v43 =	vld.idx.msk [tilespmem:v6+s16+$0x0], $0xffff  }
0x31: {  	v44 =	vld.idx.msk [tilespmem:v7+s16+$0x0], $0xffff  }
0x32: {  	v45 =	vld.idx.msk [tilespmem:v8+s16+$0x0], $0xffff  }
0x33: {  	v47 =	vld [tilespmem:$0x40]  }
0x34: {  	v50 =	vld.idx.msk [tilespmem:v9+s16+$0x0], $0xffff  }
0x35: {  	v51 =	vld.idx.msk [tilespmem:v10+s16+$0x0], $0xffff  }
0x36: {  	v52 =	vld.idx.msk [tilespmem:v11+s16+$0x0], $0xffff  }
0x37: {  	v53 =	vld [tilespmem:$0x50]  }
0x38: {  	v57 =	vld.idx.msk [tilespmem:v12+s16+$0x0], $0xffff  }
0x39: {  	v58 =	vld.idx.msk [tilespmem:v13+s16+$0x0], $0xffff  }
0x3a: {  	v26 =	vld.idx.msk [tilespmem:v24+s12+$0x0], $0xffff  }
0x3b: {  	v27 =	vld.idx.msk [tilespmem:v24+s13+$0x0], $0xffff  }
0x3c: {  	v28 =	vld.idx.msk [tilespmem:v24+s14+$0x0], $0xffff  }
0x3d: {  	v24 =	vld.idx.msk [tilespmem:v24+s15+$0x0], $0xffff  }
0x3e: {  	v32 =	vld.idx.msk [tilespmem:v25+s12+$0x0], $0xffff  }
0x3f: {  	v34 =	vld.idx.msk [tilespmem:v25+s13+$0x0], $0xffff  }
0x40: {  	v35 =	vld.idx.msk [tilespmem:v25+s14+$0x0], $0xffff  }
0x41: {  	v25 =	vld.idx.msk [tilespmem:v25+s15+$0x0], $0xffff  }
0x42: {  	v40 =	vld.idx.msk [tilespmem:v33+s12+$0x0], $0xffff  }
0x43: {  	v41 =	vld.idx.msk [tilespmem:v33+s13+$0x0], $0xffff  }
0x44: {  	v42 =	vld.idx.msk [tilespmem:v33+s14+$0x0], $0xffff  }
0x45: {  	v33 =	vld.idx.msk [tilespmem:v33+s15+$0x0], $0xffff  }
0x46: {  	v46 =	vld.idx.msk [tilespmem:v39+s12+$0x0], $0xffff  }
0x47: {  	v48 =	vld.idx.msk [tilespmem:v39+s13+$0x0], $0xffff  }
0x48: {  	v49 =	vld.idx.msk [tilespmem:v39+s14+$0x0], $0xffff  }
0x49: {  	v39 =	vld.idx.msk [tilespmem:v39+s15+$0x0], $0xffff  }
0x4a: {  	v54 =	vld.idx.msk [tilespmem:v47+s12+$0x0], $0xffff  }
0x4b: {  	v55 =	vld.idx.msk [tilespmem:v47+s13+$0x0], $0xffff  }
0x4c: {  	v56 =	vld.idx.msk [tilespmem:v47+s14+$0x0], $0xffff  }
0x4d: {  	v47 =	vld.idx.msk [tilespmem:v47+s15+$0x0], $0xffff  }
0x4e: {  	v26 =	vmul.f32 v29, v26;
	v29 =	vld.idx.msk [tilespmem:v14+s16+$0x0], $0xffff  }
0x4f: {  	v63 =	vmul.f32 v36, v32;
	v36 =	vmul.f32 v37, v34;
	v34 =	vld.idx.msk [tilespmem:v53+s12+$0x0], $0xffff  }
0x50: {  	v27 =	vmul.f32 v30, v27;
	v32 =	vld.idx.msk [tilespmem:v53+s13+$0x0], $0xffff  }
0x51: {  	v37 =	vmul.f32 v38, v35;
	v35 =	vld.idx.msk [tilespmem:v53+s14+$0x0], $0xffff  }
0x52: {  	v28 =	vmul.f32 v31, v28;
	v26 =	vadd.f32 v27, v26;
	v27 =	vld [tilespmem:$0x60]  }
0x53: {  	v31 =	vld.idx.msk [tilespmem:v15+s16+$0x0], $0xffff;
	v40 =	vmul.f32 v43, v40;
	v41 =	vmul.f32 v44, v41;
	v30 =	vadd.f32 v36, v63  }
0x54: {  	v63 =	vmul.f32 v50, v46;
	v46 =	vld.idx.msk [tilespmem:v20+s16+$0x0], $0xffff  }
0x55: {  	v61 =	vmul.f32 v45, v42;
	v40 =	vadd.f32 v41, v40;
	v38 =	vadd.f32 v37, v30;
	v30 =	vld.idx.msk [tilespmem:v53+s15+$0x0], $0xffff  }
0x56: {  	v26 =	vadd.f32 v28, v26;
	v28 =	vld [tilespmem:$0x70]  }
0x57: {  	v62 =	vadd.f32 v61, v40;
	v40 =	vld.idx.msk [tilespmem:v19+s16+$0x0], $0xffff  }
0x58: {  	v24 =	vsub.f32 v26, v24;
	v26 =	vld.idx.msk [tilespmem:v16+s16+$0x0], $0xffff  }
0x59: {  	v25 =	vsub.f32 v38, v25;
	v38 =	vld.idx.msk [tilespmem:v17+s16+$0x0], $0xffff  }
0x5a: {  	v53 =	vmul.f32 v51, v48;
	v61 =	vmul.f32 v58, v55;
	v33 =	vsub.f32 v62, v33;
	v43 =	vld.idx.msk [tilespmem:v27+s12+$0x0], $0xffff  }
0x5b: {  	v31 =	vmul.f32 v31, v34;
	v59 =	vmul.f32 $5.000000000e-01, v24;
	v44 =	vld.idx.msk [tilespmem:v27+s13+$0x0], $0xffff  }
0x5c: {  	v41 =	vadd.f32 v53, v63;
	v60 =	vmul.f32 $5.000000000e-01, v25;
	v63 =	vmul.f32 $5.000000000e-01, v33;
	v42 =	vld.idx.msk [tilespmem:v27+s14+$0x0], $0xffff  }
0x5d: {  	v36 =	vmul.f32 $1.442695020e+00, v59;
	v59 =	vmul.f32 v52, v49;
	v52 =	vld.idx.msk [tilespmem:v21+s16+$0x0], $0xffff  }
0x5e: {  	v37 =	vmul.f32 $1.442695020e+00, v60;
	v60 =	vmul.f32 v57, v54;
	v54 =	vld.idx.msk [tilespmem:v22+s16+$0x0], $0xffff  }
0x5f: {  	v29 =	vmul.f32 v29, v56;
	(erf) = vpow2.f32 v36;
	v36 =	vld.idx.msk [tilespmem:v18+s16+$0x0], $0xffff  }
0x60: {  	v55 =	vmul.f32 $1.442695020e+00, v63;
	v26 =	vmul.f32 v26, v32;
	v49 =	vld.idx.msk [tilespmem:v28+s12+$0x0], $0xffff  }
0x61: {  	v62 =	vld.idx.msk [tilespmem:v28+s13+$0x0], $0xffff;
	v53 =	vadd.f32 v61, v60;
	(erf) = vpow2.f32 v37;
	v37 =	vadd.f32 v59, v41  }
0x62: {  	v58 =	vld.idx.msk [tilespmem:v23+s16+$0x0], $0xffff;
	v35 =	vmul.f32 v38, v35;
	v26 =	vadd.f32 v26, v31  }
0x63: {  	v56 =	vld.idx.msk [tilespmem:v28+s14+$0x0], $0xffff;
	(erf) = vpow2.f32 v55;
	v29 =	vadd.f32 v29, v53;
	v37 =	vsub.f32 v37, v39  }
0x64: {  	v57 =	vmul.f32 v40, v44;
	v26 =	vadd.f32 v35, v26;
	v36 =	vmul.f32 v36, v43  }
0x65: {  	v27 =	vld.idx.msk [tilespmem:v27+s15+$0x0], $0xffff;
	v60 =	vmul.f32 v46, v42;
	v29 =	vsub.f32 v29, v47;
	v61 =	vmul.f32 $5.000000000e-01, v37  }
0x66: {  	v32 =	vmul.f32 v52, v49;
	v34 =	vmul.f32 v54, v62;
	v59 =	vadd.f32 v57, v36  }
0x67: {  	v28 =	vld.idx.msk [tilespmem:v28+s15+$0x0], $0xffff;
	v26 =	vsub.f32 v26, v30;
	v38 =	vmul.f32 $5.000000000e-01, v29;
	v63 =	vmul.f32 $1.442695020e+00, v61  }
0x68: {  	v32 =	vadd.f32 v34, v32;
	v36 =	vmul.f32 v58, v56;
	v62 =	vadd.f32 v60, v59  }
0x69: {  	v39 =	vmul.f32 $5.000000000e-01, v26;
	v40 =	vmul.f32 $1.442695020e+00, v38  }
0x6a: {  	(erf) = vpow2.f32 v63;
	v32 =	vadd.f32 v36, v32;
	v27 =	vsub.f32 v62, v27  }
0x6b: {  	vm0 =	vgt.f32 v24, $0.0e+00;
	v24 =	vadd.f32 $1.000000000e+00, v24;
	v31 =	vmul.f32 $1.442695020e+00, v39  }
0x6c: {  	v41 =	vpop (erf);
	(erf) = vpow2.f32 v40;
	v28 =	vsub.f32 v32, v28;
	v42 =	vmul.f32 $5.000000000e-01, v27  }
0x6d: {  	vm1 =	vgt.f32 v25, $0.0e+00;
	v44 =	vadd.f32 $1.000000000e+00, v25;
	(erf) = vpow2.f32 v31  }
0x6e: {  	v43 =	vadd.f32 $0.0e+00, v41;
	v45 =	vpop (erf);
	v46 =	vmul.f32 $5.000000000e-01, v28;
	v30 =	vmul.f32 $1.442695020e+00, v42  }
0x6f: {  	v47 =	vadd.f32 $1.000000000e+00, v33;
	v25 =	vsel vm1, v44, v45  }
0x70: {  	v24 =	vsel vm0, v24, v43;
	v31 =	vmul.f32 $1.442695020e+00, v46;
	(erf) = vpow2.f32 v30  }
0x71: {  	vm10 =	vgt.f32 v33, $0.0e+00;
	v48 =	vpop (erf);
	v24 =	vadd.f32 v25, v24  }
0x72: {  	v49 =	vadd.f32 $1.000000000e+00, v37;
	v25 =	vsel vm10, v47, v48;
	(erf) = vpow2.f32 v31  }
0x73: {  	vm11 =	vgt.f32 v37, $0.0e+00;
	v24 =	vadd.f32 v25, v24;
	v50 =	vpop (erf)  }
0x74: {  	v52 =	vadd.f32 $1.000000000e+00, v29;
	v51 =	vsel vm11, v49, v50  }
0x75: {  	vm12 =	vgt.f32 v29, $0.0e+00;
	v53 =	vpop (erf);
	v24 =	vadd.f32 v51, v24  }
0x76: {  	v55 =	vadd.f32 $1.000000000e+00, v26;
	v54 =	vsel vm12, v52, v53  }
0x77: {  	vm13 =	vgt.f32 v26, $0.0e+00;
	v56 =	vpop (erf);
	v24 =	vadd.f32 v54, v24  }
0x78: {  	v58 =	vadd.f32 $1.000000000e+00, v27;
	v57 =	vsel vm13, v55, v56  }
0x79: {  	vm14 =	vgt.f32 v27, $0.0e+00;
	v24 =	vadd.f32 v57, v24;
	v59 =	vpop (erf)  }
0x7a: {  	v61 =	vadd.f32 $1.000000000e+00, v28;
	v60 =	vsel vm14, v58, v59  }
0x7b: {  	vm15 =	vgt.f32 v28, $0.0e+00;
	v62 =	vpop (erf);
	v24 =	vadd.f32 v60, v24  }
0x7c: {  	v25 =	vsel vm15, v61, v62  }
0x7d: {  	v24 =	vadd.f32 v25, v24;
	_ =	sdelay $0x1  }
0x7e: {  	(xrf2) =	vadd.scan.msk.f32 $0xffff, v24;
	_ =	sdelay $0x9  }
0x7f: {  	v24, _, _ =	vpop (xrf2)  }
0x80: {  	(v2sf) =	vpush v24, $0xF;
	_ =	sdelay $0xe  }
0x81: {  	s18 =	spop (v2sf)  }
0x82: {  	s18 =	smul.f32 $7.812500000e-03, s18;
	_ =	sdelay $0x1  }
0x83: {  	p0 =	sne.s32 s10, $0x1;
	v63 =	vmov s18  }
.Ltmp0:
0x84: {  	[tilespmem:$0x4200] =	vst v63;
	(pc) =	sbr.rel @p0 .LBB2_1-.Ltmp0, $4  }
0x85: {  	[hbm4b:s9+s2] =	stream.linear.scatter [tilespmem:s17], [sflag:$0x1], $0x10, $0x38;
	[tilespmem:$0x4280] =	vst v63  }
0x86: {  	_ =	swait.ge [sflag:s11], $0x10  }
0x87: {  	[sflag:s11] =	ssyncset.done $0x0  }
0x88: {  	s10 =	sadd.s32 $0xFFFFFFFF, s10;
	[sflag:s11] =	ssyncadd.s32 $0xFFFFFFF0  }
0x89: {  	_ =	sfence.sel $0x180000  }
0x8a: {  	[bflag:$0x0] =	sbarrier.arrive $0xFFFF  }
0x8b: {  	p0 =	sne.s32 s0, $0x0;
	_ =	strace $0x90000047  }
0x8c: {  	s0 =	sadd.s32 @!p0 $0x100000, s1;
	[bflag:$0x2] =	sbarrier.arrive $0xFFFF  }
0x8d: {  	[sflag:s0] =	ssyncadd.tile.s32 @!p0 $0x1;
	_ =	shalt  }
.Lfunc_end2:
_tile_overlayer_lowered:
.L_overlay_start_2:
0x8e: {  	(tag) =	ssettag $0x2  }
0x8f: {  	s0 =	rddreg [dreg:$0x0];
	s2 =	stileid.u32  }
0x90: {  	s1 =	rddreg [dreg:$0x1];
	p0 =	sne.s32 s2, $0x0  }
0x91: {  	s3 =	rddreg [dreg:$0x2];
	[bflag:$0x3] =	sbarrier.arrive $0xFFFF;
	s2 =	simm.s32 @!p0 $0x1C01  }
0x92: {  	[timem:s3], [sflag:s2] =	dma.local @!p0 [hbm:s0], s1  }
0x93: {  	s0 =	simm.s32 @!p0 $0x1  }
0x94: {  	_ =	swait.ge @!p0 [sflag:s0], s1  }
0x95: {  	s1 =	ssub.s32 @!p0 $0x0, s1;
	[sflag:s0] =	ssyncset.done @!p0 $0x0  }
0x96: {  	[sflag:s0] =	ssyncadd.s32 @!p0 s1  }
0x97: {  	[bflag:$0x3] =	sbarrier.arrive $0xFFFF  }
0x98: {  	_ =	shalt  }

</sc_bundles>
